<compile_context>
chip_gen: v7x
topology: tpu7x:2x2x1
jax: 0.10.2.dev20260603
libtpu: 0.0.44.dev20260713+nightly
codegen_flags: <defaults>
</compile_context>

<pallas_src>
import functools

import jax
import jax.numpy as jnp
from jax import lax
from jax.experimental import pallas as pl
from jax.experimental.pallas import tpu as pltpu
from jax.experimental.pallas import tpu_sc as plsc

VOCAB = 100000
HIDDEN = 128
MAX_POS = 512
EPS = 1e-12

NC, NS, L = 2, 16, 16
NW = NC * NS
N_TOK = 64 * 512
C = 128

NSPLIT = 2
N_PART = N_TOK // NSPLIT

BT = 8192
NSEQ_BLK = BT // MAX_POS


def _make_gather_body(n_tok):
    tpw = n_tok // NW
    nchunk = tpw // C

    def body(ids_hbm, word_hbm, out_hbm, rows0, rows1, idx_all,
             gsem0, gsem1, wsem0, wsem1):
        wid = lax.axis_index("s") * NC + lax.axis_index("c")
        base = wid * tpw
        pltpu.sync_copy(ids_hbm.at[pl.ds(base, tpw)], idx_all)

        def prep(c, rowsv, gsem):
            pltpu.async_copy(
                word_hbm.at[idx_all.at[pl.ds(c * C, C)]], rowsv, gsem)

        def gwait(c, rowsv, gsem):
            pltpu.make_async_copy(
                word_hbm.at[idx_all.at[pl.ds(c * C, C)]], rowsv, gsem).wait()

        def wb_start(c, rowsv, wsem):
            start = base + c * C
            pltpu.async_copy(rowsv, out_hbm.at[pl.ds(start, C)], wsem)

        def wb_wait(rowsv, wsem):
            pltpu.make_async_copy(
                rowsv, out_hbm.at[pl.ds(base, C)], wsem).wait()

        prep(0, rows0, gsem0)

        def pair(h, carry):
            c0 = 2 * h

            @pl.when(h > 0)
            def _():
                wb_wait(rows1, wsem1)

            prep(c0 + 1, rows1, gsem1)
            gwait(c0, rows0, gsem0)
            wb_start(c0, rows0, wsem0)

            @pl.when(h < nchunk // 2 - 1)
            def _():
                wb_wait(rows0, wsem0)
                prep(c0 + 2, rows0, gsem0)

            gwait(c0 + 1, rows1, gsem1)
            wb_start(c0 + 1, rows1, wsem1)
            return carry

        lax.fori_loop(0, nchunk // 2, pair, 0)
        wb_wait(rows0, wsem0)
        wb_wait(rows1, wsem1)

    return body


def _sc_gather(ids_flat, word_table, n_tok):
    mesh = plsc.VectorSubcoreMesh(core_axis_name="c", subcore_axis_name="s")
    run = functools.partial(
        pl.kernel,
        out_type=jax.ShapeDtypeStruct((n_tok, HIDDEN), jnp.float32),
        mesh=mesh,
        compiler_params=pltpu.CompilerParams(needs_layout_passes=False),
        scratch_types=[
            pltpu.VMEM((C, HIDDEN), jnp.float32),
            pltpu.VMEM((C, HIDDEN), jnp.float32),
            pltpu.VMEM((n_tok // NW,), jnp.int32),
            pltpu.SemaphoreType.DMA,
            pltpu.SemaphoreType.DMA,
            pltpu.SemaphoreType.DMA,
            pltpu.SemaphoreType.DMA,
        ],
    )(_make_gather_body(n_tok))
    return run(ids_flat, word_table)


def _ln_math(x_ref, ttf_ref, pos_ref, type_ref, g_ref, b_ref, o_ref, obase):
    pos = pos_ref[...]
    t0 = type_ref[0, :][None, :]
    td = type_ref[1, :][None, :] - t0
    gv = g_ref[...]
    bv = b_ref[...]
    ones = jnp.full((HIDDEN, HIDDEN), 1.0 / HIDDEN, dtype=jnp.float32)
    for s in range(NSEQ_BLK):
        sl = pl.ds(MAX_POS * s, MAX_POS)
        osl = pl.ds(obase + MAX_POS * s, MAX_POS)
        ttf = ttf_ref[0, :, s][:, None]
        x = x_ref[sl, :] + pos + t0 + ttf * td
        mu = jnp.dot(x, ones, preferred_element_type=jnp.float32)
        ex2 = jnp.dot(x * x, ones, preferred_element_type=jnp.float32)
        var = ex2 - mu * mu
        o_ref[osl, :] = (x - mu) * lax.rsqrt(var + EPS) * gv + bv


def _ln_body0(x_ref, ttf_ref, pos_ref, type_ref, g_ref, b_ref, o_ref):
    _ln_math(x_ref, ttf_ref, pos_ref, type_ref, g_ref, b_ref, o_ref, 0)


def _ln_body1(prev_ref, x_ref, ttf_ref, pos_ref, type_ref, g_ref, b_ref,
              o_ref):
    del prev_ref
    _ln_math(x_ref, ttf_ref, pos_ref, type_ref, g_ref, b_ref, o_ref, 0)


_LN_TAIL_SPECS = [
    pl.BlockSpec((1, MAX_POS, NSEQ_BLK), lambda i: (i, 0, 0)),
    pl.BlockSpec((MAX_POS, HIDDEN), lambda i: (0, 0)),
    pl.BlockSpec((2, HIDDEN), lambda i: (0, 0)),
    pl.BlockSpec((1, HIDDEN), lambda i: (0, 0)),
    pl.BlockSpec((1, HIDDEN), lambda i: (0, 0)),
]


@jax.jit
def _bert_embed(ids_flat, ttf3, word_table, pos_table, type_table, gamma,
                beta):
    g2 = gamma.reshape(1, HIDDEN)
    b2 = beta.reshape(1, HIDDEN)
    nblk_part = N_PART // BT
    xgs = [_sc_gather(ids_flat[i * N_PART:(i + 1) * N_PART], word_table,
                      N_PART)
           for i in range(NSPLIT)]
    out = None
    for p in range(NSPLIT):
        x_spec = pl.BlockSpec((BT, HIDDEN), lambda i: (i, 0))
        o_spec = pl.BlockSpec(
            (BT, HIDDEN), lambda i, _p=p: (i + _p * nblk_part, 0))
        tt_part = ttf3[p * nblk_part:(p + 1) * nblk_part]
        common = dict(
            grid=(nblk_part,),
            out_specs=o_spec,
            out_shape=jax.ShapeDtypeStruct((N_TOK, HIDDEN), jnp.float32),
            compiler_params=pltpu.CompilerParams(
                dimension_semantics=("arbitrary",)),
        )
        if p == 0:
            out = pl.pallas_call(
                _ln_body0,
                in_specs=[x_spec] + _LN_TAIL_SPECS,
                **common,
            )(xgs[0], tt_part, pos_table, type_table, g2, b2)
        else:
            out = pl.pallas_call(
                _ln_body1,
                in_specs=[pl.BlockSpec(memory_space=pltpu.MemorySpace.HBM),
                          x_spec] + _LN_TAIL_SPECS,
                input_output_aliases={0: 0},
                **common,
            )(out, xgs[p], tt_part, pos_table, type_table, g2, b2)
    return out


def kernel(input_ids, token_type_ids, word_table, pos_table, type_table,
           gamma, beta):
    B, S = input_ids.shape
    out = _bert_embed(
        input_ids.reshape(-1).astype(jnp.int32),
        token_type_ids.astype(jnp.float32).reshape(
            N_TOK // BT, NSEQ_BLK, S).transpose(0, 2, 1),
        word_table, pos_table, type_table, gamma, beta)
    return out.reshape(B, S, HIDDEN)

# --- scband reference (transcript-rebuilt; emitter-appended) ---
"""Pipeline reference for scband-bert-embeddings-61959198212569 (READ-ONLY COPY).

The authoritative reference and input builder live on the scoring server;
editing this copy changes nothing except your own understanding.
"""

import jax, jax.numpy as jnp
import numpy as np

VOCAB = 100000
HIDDEN = 128
MAX_POS = 512
TYPE_VOCAB = 2
EPS = 1e-12


def setup_inputs(seed: int = 0) -> dict:
    key = jax.random.key(seed)
    k1, k2, k3, k4, k5 = jax.random.split(key, 5)
    input_ids = jax.random.randint(k1, (64, 512), 0, VOCAB, dtype=jnp.int64 if jax.config.jax_enable_x64 else jnp.int32)
    token_type_ids = jax.random.randint(k2, (64, 512), 0, TYPE_VOCAB, dtype=jnp.int64 if jax.config.jax_enable_x64 else jnp.int32)
    word_table = jax.random.normal(k3, (VOCAB, HIDDEN), dtype=jnp.float32) * 0.02
    word_table = word_table.at[0].set(0.0)  # padding_idx=0
    pos_table = jax.random.normal(k4, (MAX_POS, HIDDEN), dtype=jnp.float32) * 0.02
    type_table = jax.random.normal(k5, (TYPE_VOCAB, HIDDEN), dtype=jnp.float32) * 0.02
    gamma = jnp.ones((HIDDEN,), dtype=jnp.float32)
    beta = jnp.zeros((HIDDEN,), dtype=jnp.float32)
    return {
        "input_ids": input_ids,
        "token_type_ids": token_type_ids,
        "word_table": word_table,
        "pos_table": pos_table,
        "type_table": type_table,
        "gamma": gamma,
        "beta": beta,
    }


def reference(input_ids, token_type_ids, word_table, pos_table, type_table, gamma, beta):
    seq_len = input_ids.shape[1]
    position_ids = jnp.arange(seq_len)[None, :]  # [1, S]
    words = jnp.take(word_table, input_ids, axis=0)          # [B, S, H]
    positions = jnp.take(pos_table, position_ids, axis=0)    # [1, S, H]
    types = jnp.take(type_table, token_type_ids, axis=0)     # [B, S, H]
    x = words + positions + types
    mu = jnp.mean(x, axis=-1, keepdims=True)
    var = jnp.mean((x - mu) ** 2, axis=-1, keepdims=True)
    normed = (x - mu) / jnp.sqrt(var + EPS)
    out = normed * gamma + beta
    # dropout is identity in eval mode
    return out

if __name__ == "__main__":
    import jax
    _d = setup_inputs()
    print(jax.jit(kernel)(*tuple(_d.values())))

</pallas_src>

<mosaic_0001>
#map = affine_map<(d0, d1) -> (0)>
#map1 = affine_map<(d0, d1) -> (0, 0)>
module attributes {stable_mosaic.version = 14 : i64} {
  func.func @body(%arg0: i32, %arg1: i32, %arg2: memref<16384xi32, #tpu.memory_space<hbm>>, %arg3: memref<100000x128xf32, #tpu.memory_space<hbm>>, %arg4: memref<16384x128xf32, #tpu.memory_space<hbm>>, %arg5: memref<128x128xf32, #tpu.memory_space<vmem>>, %arg6: memref<128x128xf32, #tpu.memory_space<vmem>>, %arg7: memref<512xi32, #tpu.memory_space<vmem>>, %arg8: memref<!tpu.dma_semaphore, #tpu.memory_space<semaphore_mem>>, %arg9: memref<!tpu.dma_semaphore, #tpu.memory_space<semaphore_mem>>, %arg10: memref<!tpu.dma_semaphore, #tpu.memory_space<semaphore_mem>>, %arg11: memref<!tpu.dma_semaphore, #tpu.memory_space<semaphore_mem>>) attributes {dimension_semantics = [#tpu.dimension_semantics<core_parallel>, #tpu.dimension_semantics<subcore_parallel>], iteration_bounds = array<i64: 2, 16>, scalar_prefetch = 0 : i64, scratch_operands = 7 : i64, tpu.core_type = #tpu.core_type<sc_vector_subcore>, window_params = [{transform_indices = #map}, {transform_indices = #map1}, {transform_indices = #map1}]} {
    %mul3A = arith.constant 2 : i32
    %mul3A_0 = arith.muli %arg1, %mul3A : i32
    %add3A = arith.addi %mul3A_0, %arg0 : i32
    %mul3A_1 = arith.constant 512 : i32
    %mul3A_2 = arith.muli %add3A, %mul3A_1 : i32
    "tpu.region"() ({
      %run_scoped3A = tpu.sem_alloc : memref<!tpu.dma_semaphore, #tpu.memory_space<semaphore_mem>>
      %dma_start3A_19 = tpu.memref_slice %arg2[%mul3A_2] : memref<16384xi32, #tpu.memory_space<hbm>> -> memref<512xi32, #tpu.memory_space<hbm>>
      %dma_start3A_20 = tpu.memref_slice %arg2[%mul3A_2] : memref<16384xi32, #tpu.memory_space<hbm>> -> memref<512xi32, #tpu.memory_space<hbm>>
      tpu.enqueue_dma source(%dma_start3A_20 : memref<512xi32, #tpu.memory_space<hbm>>) target(%arg7 : memref<512xi32, #tpu.memory_space<vmem>>) target_semaphore(%run_scoped3A : memref<!tpu.dma_semaphore, #tpu.memory_space<semaphore_mem>>)
      %dma_wait3A_21 = tpu.memref_slice %arg2[%mul3A_2] : memref<16384xi32, #tpu.memory_space<hbm>> -> memref<512xi32, #tpu.memory_space<hbm>>
      %dma_wait3A_22 = tpu.memref_slice %arg2[%mul3A_2] : memref<16384xi32, #tpu.memory_space<hbm>> -> memref<512xi32, #tpu.memory_space<hbm>>
      tpu.wait_dma2 semaphore(%run_scoped3A : memref<!tpu.dma_semaphore, #tpu.memory_space<semaphore_mem>>) src(%dma_wait3A_22 : memref<512xi32, #tpu.memory_space<hbm>>) dst(%arg7 : memref<512xi32, #tpu.memory_space<vmem>>)
      tpu.yield
    }) : () -> ()
    %dma_start3A = arith.constant 0 : i32
    %dma_start3A_3 = tpu.memref_slice %arg7[%dma_start3A] : memref<512xi32, #tpu.memory_space<vmem>> -> memref<128xi32, #tpu.memory_space<vmem>>
    %dma_start3A_4 = arith.constant 0 : i32
    %dma_start3A_5 = arith.constant 0 : i32
    %dma_start3A_6 = tpu.memref_slice %arg3[%dma_start3A_4, %dma_start3A_5] : memref<100000x128xf32, #tpu.memory_space<hbm>> -> memref<100000x128xf32, #tpu.memory_space<hbm>>
    tpu.enqueue_indirect_dma source(%dma_start3A_6 : memref<100000x128xf32, #tpu.memory_space<hbm>>) target(%arg5 : memref<128x128xf32, #tpu.memory_space<vmem>>) offsets(%dma_start3A_3 : memref<128xi32, #tpu.memory_space<vmem>>) semaphore(%arg8 : memref<!tpu.dma_semaphore, #tpu.memory_space<semaphore_mem>>)
    %scan3A = arith.constant 0 : i32
    %scan3A_7 = arith.constant 0 : i32
    %scan3A_8 = arith.constant 2 : i32
    %scan3A_9 = arith.addi %scan3A_7, %scan3A_8 : i32
    %scan3A_10 = arith.constant 1 : i32
    scf.for %scan3A_19 = %scan3A_7 to %scan3A_9 step %scan3A_10  : i32 {
      %mul3A_20 = arith.constant 2 : i32
      %mul3A_21 = arith.muli %mul3A_20, %scan3A_19 : i32
      %gt3A = arith.constant 0 : i32
      %gt3A_22 = arith.cmpi sgt, %scan3A_19, %gt3A : i32
      %convert_element_type3A = arith.extui %gt3A_22 : i1 to i32
      %cond3A = arith.constant 0 : i32
      %cond3A_23 = arith.cmpi ne, %convert_element_type3A, %cond3A : i32
      scf.if %cond3A_23 {
        %dma_wait3A_66 = arith.constant 0 : i32
        %dma_wait3A_67 = tpu.memref_slice %arg4[%mul3A_2, %dma_wait3A_66] : memref<16384x128xf32, #tpu.memory_space<hbm>> -> memref<128x128xf32, #tpu.memory_space<hbm>>
        %dma_wait3A_68 = arith.constant 0 : i32
        %dma_wait3A_69 = tpu.memref_slice %arg4[%mul3A_2, %dma_wait3A_68] : memref<16384x128xf32, #tpu.memory_space<hbm>> -> memref<128x128xf32, #tpu.memory_space<hbm>>
        tpu.wait_dma2 semaphore(%arg11 : memref<!tpu.dma_semaphore, #tpu.memory_space<semaphore_mem>>) src(%arg6 : memref<128x128xf32, #tpu.memory_space<vmem>>) dst(%dma_wait3A_69 : memref<128x128xf32, #tpu.memory_space<hbm>>)
      } else {
      }
      %add3A_24 = arith.constant 1 : i32
      %add3A_25 = arith.addi %mul3A_21, %add3A_24 : i32
      %mul3A_26 = arith.constant 128 : i32
      %mul3A_27 = arith.muli %add3A_25, %mul3A_26 : i32
      %dma_start3A_28 = tpu.memref_slice %arg7[%mul3A_27] : memref<512xi32, #tpu.memory_space<vmem>> -> memref<128xi32, #tpu.memory_space<vmem>>
      %dma_start3A_29 = arith.constant 0 : i32
      %dma_start3A_30 = arith.constant 0 : i32
      %dma_start3A_31 = tpu.memref_slice %arg3[%dma_start3A_29, %dma_start3A_30] : memref<100000x128xf32, #tpu.memory_space<hbm>> -> memref<100000x128xf32, #tpu.memory_space<hbm>>
      tpu.enqueue_indirect_dma source(%dma_start3A_31 : memref<100000x128xf32, #tpu.memory_space<hbm>>) target(%arg6 : memref<128x128xf32, #tpu.memory_space<vmem>>) offsets(%dma_start3A_28 : memref<128xi32, #tpu.memory_space<vmem>>) semaphore(%arg9 : memref<!tpu.dma_semaphore, #tpu.memory_space<semaphore_mem>>)
      %mul3A_32 = arith.constant 128 : i32
      %mul3A_33 = arith.muli %mul3A_21, %mul3A_32 : i32
      %dma_wait3A_34 = tpu.memref_slice %arg7[%mul3A_33] : memref<512xi32, #tpu.memory_space<vmem>> -> memref<128xi32, #tpu.memory_space<vmem>>
      %dma_wait3A_35 = arith.constant 0 : i32
      %dma_wait3A_36 = arith.constant 0 : i32
      %dma_wait3A_37 = tpu.memref_slice %arg3[%dma_wait3A_35, %dma_wait3A_36] : memref<100000x128xf32, #tpu.memory_space<hbm>> -> memref<100000x128xf32, #tpu.memory_space<hbm>>
      tpu.wait_indirect_dma semaphore(%arg8 : memref<!tpu.dma_semaphore, #tpu.memory_space<semaphore_mem>>) src(%dma_wait3A_37 : memref<100000x128xf32, #tpu.memory_space<hbm>>) dst(%arg5 : memref<128x128xf32, #tpu.memory_space<vmem>>)
      %mul3A_38 = arith.constant 128 : i32
      %mul3A_39 = arith.muli %mul3A_21, %mul3A_38 : i32
      %add3A_40 = arith.addi %mul3A_2, %mul3A_39 : i32
      %dma_start3A_41 = arith.constant 0 : i32
      %dma_start3A_42 = tpu.memref_slice %arg4[%add3A_40, %dma_start3A_41] : memref<16384x128xf32, #tpu.memory_space<hbm>> -> memref<128x128xf32, #tpu.memory_space<hbm>>
      %dma_start3A_43 = arith.constant 0 : i32
      %dma_start3A_44 = tpu.memref_slice %arg4[%add3A_40, %dma_start3A_43] : memref<16384x128xf32, #tpu.memory_space<hbm>> -> memref<128x128xf32, #tpu.memory_space<hbm>>
      tpu.enqueue_dma source(%arg5 : memref<128x128xf32, #tpu.memory_space<vmem>>) target(%dma_start3A_44 : memref<128x128xf32, #tpu.memory_space<hbm>>) target_semaphore(%arg10 : memref<!tpu.dma_semaphore, #tpu.memory_space<semaphore_mem>>)
      %lt3A = arith.constant 1 : i32
      %lt3A_45 = arith.cmpi slt, %scan3A_19, %lt3A : i32
      %convert_element_type3A_46 = arith.extui %lt3A_45 : i1 to i32
      %cond3A_47 = arith.constant 0 : i32
      %cond3A_48 = arith.cmpi ne, %convert_element_type3A_46, %cond3A_47 : i32
      scf.if %cond3A_48 {
        %dma_wait3A_66 = arith.constant 0 : i32
        %dma_wait3A_67 = tpu.memref_slice %arg4[%mul3A_2, %dma_wait3A_66] : memref<16384x128xf32, #tpu.memory_space<hbm>> -> memref<128x128xf32, #tpu.memory_space<hbm>>
        %dma_wait3A_68 = arith.constant 0 : i32
        %dma_wait3A_69 = tpu.memref_slice %arg4[%mul3A_2, %dma_wait3A_68] : memref<16384x128xf32, #tpu.memory_space<hbm>> -> memref<128x128xf32, #tpu.memory_space<hbm>>
        tpu.wait_dma2 semaphore(%arg10 : memref<!tpu.dma_semaphore, #tpu.memory_space<semaphore_mem>>) src(%arg5 : memref<128x128xf32, #tpu.memory_space<vmem>>) dst(%dma_wait3A_69 : memref<128x128xf32, #tpu.memory_space<hbm>>)
        %add3A_70 = arith.constant 2 : i32
        %add3A_71 = arith.addi %mul3A_21, %add3A_70 : i32
        %mul3A_72 = arith.constant 128 : i32
        %mul3A_73 = arith.muli %add3A_71, %mul3A_72 : i32
        %dma_start3A_74 = tpu.memref_slice %arg7[%mul3A_73] : memref<512xi32, #tpu.memory_space<vmem>> -> memref<128xi32, #tpu.memory_space<vmem>>
        %dma_start3A_75 = arith.constant 0 : i32
        %dma_start3A_76 = arith.constant 0 : i32
        %dma_start3A_77 = tpu.memref_slice %arg3[%dma_start3A_75, %dma_start3A_76] : memref<100000x128xf32, #tpu.memory_space<hbm>> -> memref<100000x128xf32, #tpu.memory_space<hbm>>
        tpu.enqueue_indirect_dma source(%dma_start3A_77 : memref<100000x128xf32, #tpu.memory_space<hbm>>) target(%arg5 : memref<128x128xf32, #tpu.memory_space<vmem>>) offsets(%dma_start3A_74 : memref<128xi32, #tpu.memory_space<vmem>>) semaphore(%arg8 : memref<!tpu.dma_semaphore, #tpu.memory_space<semaphore_mem>>)
      } else {
      }
      %add3A_49 = arith.constant 1 : i32
      %add3A_50 = arith.addi %mul3A_21, %add3A_49 : i32
      %mul3A_51 = arith.constant 128 : i32
      %mul3A_52 = arith.muli %add3A_50, %mul3A_51 : i32
      %dma_wait3A_53 = tpu.memref_slice %arg7[%mul3A_52] : memref<512xi32, #tpu.memory_space<vmem>> -> memref<128xi32, #tpu.memory_space<vmem>>
      %dma_wait3A_54 = arith.constant 0 : i32
      %dma_wait3A_55 = arith.constant 0 : i32
      %dma_wait3A_56 = tpu.memref_slice %arg3[%dma_wait3A_54, %dma_wait3A_55] : memref<100000x128xf32, #tpu.memory_space<hbm>> -> memref<100000x128xf32, #tpu.memory_space<hbm>>
      tpu.wait_indirect_dma semaphore(%arg9 : memref<!tpu.dma_semaphore, #tpu.memory_space<semaphore_mem>>) src(%dma_wait3A_56 : memref<100000x128xf32, #tpu.memory_space<hbm>>) dst(%arg6 : memref<128x128xf32, #tpu.memory_space<vmem>>)
      %add3A_57 = arith.constant 1 : i32
      %add3A_58 = arith.addi %mul3A_21, %add3A_57 : i32
      %mul3A_59 = arith.constant 128 : i32
      %mul3A_60 = arith.muli %add3A_58, %mul3A_59 : i32
      %add3A_61 = arith.addi %mul3A_2, %mul3A_60 : i32
      %dma_start3A_62 = arith.constant 0 : i32
      %dma_start3A_63 = tpu.memref_slice %arg4[%add3A_61, %dma_start3A_62] : memref<16384x128xf32, #tpu.memory_space<hbm>> -> memref<128x128xf32, #tpu.memory_space<hbm>>
      %dma_start3A_64 = arith.constant 0 : i32
      %dma_start3A_65 = tpu.memref_slice %arg4[%add3A_61, %dma_start3A_64] : memref<16384x128xf32, #tpu.memory_space<hbm>> -> memref<128x128xf32, #tpu.memory_space<hbm>>
      tpu.enqueue_dma source(%arg6 : memref<128x128xf32, #tpu.memory_space<vmem>>) target(%dma_start3A_65 : memref<128x128xf32, #tpu.memory_space<hbm>>) target_semaphore(%arg11 : memref<!tpu.dma_semaphore, #tpu.memory_space<semaphore_mem>>)
    }
    %scan3A_11 = arith.constant 2 : i32
    %dma_wait3A = arith.constant 0 : i32
    %dma_wait3A_12 = tpu.memref_slice %arg4[%mul3A_2, %dma_wait3A] : memref<16384x128xf32, #tpu.memory_space<hbm>> -> memref<128x128xf32, #tpu.memory_space<hbm>>
    %dma_wait3A_13 = arith.constant 0 : i32
    %dma_wait3A_14 = tpu.memref_slice %arg4[%mul3A_2, %dma_wait3A_13] : memref<16384x128xf32, #tpu.memory_space<hbm>> -> memref<128x128xf32, #tpu.memory_space<hbm>>
    tpu.wait_dma2 semaphore(%arg10 : memref<!tpu.dma_semaphore, #tpu.memory_space<semaphore_mem>>) src(%arg5 : memref<128x128xf32, #tpu.memory_space<vmem>>) dst(%dma_wait3A_14 : memref<128x128xf32, #tpu.memory_space<hbm>>)
    %dma_wait3A_15 = arith.constant 0 : i32
    %dma_wait3A_16 = tpu.memref_slice %arg4[%mul3A_2, %dma_wait3A_15] : memref<16384x128xf32, #tpu.memory_space<hbm>> -> memref<128x128xf32, #tpu.memory_space<hbm>>
    %dma_wait3A_17 = arith.constant 0 : i32
    %dma_wait3A_18 = tpu.memref_slice %arg4[%mul3A_2, %dma_wait3A_17] : memref<16384x128xf32, #tpu.memory_space<hbm>> -> memref<128x128xf32, #tpu.memory_space<hbm>>
    tpu.wait_dma2 semaphore(%arg11 : memref<!tpu.dma_semaphore, #tpu.memory_space<semaphore_mem>>) src(%arg6 : memref<128x128xf32, #tpu.memory_space<vmem>>) dst(%dma_wait3A_18 : memref<128x128xf32, #tpu.memory_space<hbm>>)
    return
  }
}

#map = affine_map<(d0, d1) -> (0)>
#map1 = affine_map<(d0, d1) -> (0, 0)>
module attributes {stable_mosaic.version = 14 : i64} {
  func.func @body(%arg0: i32, %arg1: i32, %arg2: memref<16384xi32, #tpu.memory_space<hbm>>, %arg3: memref<100000x128xf32, #tpu.memory_space<hbm>>, %arg4: memref<16384x128xf32, #tpu.memory_space<hbm>>, %arg5: memref<128x128xf32, #tpu.memory_space<vmem>>, %arg6: memref<128x128xf32, #tpu.memory_space<vmem>>, %arg7: memref<512xi32, #tpu.memory_space<vmem>>, %arg8: memref<!tpu.dma_semaphore, #tpu.memory_space<semaphore_mem>>, %arg9: memref<!tpu.dma_semaphore, #tpu.memory_space<semaphore_mem>>, %arg10: memref<!tpu.dma_semaphore, #tpu.memory_space<semaphore_mem>>, %arg11: memref<!tpu.dma_semaphore, #tpu.memory_space<semaphore_mem>>) attributes {dimension_semantics = [#tpu.dimension_semantics<core_parallel>, #tpu.dimension_semantics<subcore_parallel>], iteration_bounds = array<i64: 2, 16>, scalar_prefetch = 0 : i64, scratch_operands = 7 : i64, tpu.core_type = #tpu.core_type<sc_vector_subcore>, window_params = [{transform_indices = #map}, {transform_indices = #map1}, {transform_indices = #map1}]} {
    %mul3A = arith.constant 2 : i32
    %mul3A_0 = arith.muli %arg1, %mul3A : i32
    %add3A = arith.addi %mul3A_0, %arg0 : i32
    %mul3A_1 = arith.constant 512 : i32
    %mul3A_2 = arith.muli %add3A, %mul3A_1 : i32
    "tpu.region"() ({
      %run_scoped3A = tpu.sem_alloc : memref<!tpu.dma_semaphore, #tpu.memory_space<semaphore_mem>>
      %dma_start3A_19 = tpu.memref_slice %arg2[%mul3A_2] : memref<16384xi32, #tpu.memory_space<hbm>> -> memref<512xi32, #tpu.memory_space<hbm>>
      %dma_start3A_20 = tpu.memref_slice %arg2[%mul3A_2] : memref<16384xi32, #tpu.memory_space<hbm>> -> memref<512xi32, #tpu.memory_space<hbm>>
      tpu.enqueue_dma source(%dma_start3A_20 : memref<512xi32, #tpu.memory_space<hbm>>) target(%arg7 : memref<512xi32, #tpu.memory_space<vmem>>) target_semaphore(%run_scoped3A : memref<!tpu.dma_semaphore, #tpu.memory_space<semaphore_mem>>)
      %dma_wait3A_21 = tpu.memref_slice %arg2[%mul3A_2] : memref<16384xi32, #tpu.memory_space<hbm>> -> memref<512xi32, #tpu.memory_space<hbm>>
      %dma_wait3A_22 = tpu.memref_slice %arg2[%mul3A_2] : memref<16384xi32, #tpu.memory_space<hbm>> -> memref<512xi32, #tpu.memory_space<hbm>>
      tpu.wait_dma2 semaphore(%run_scoped3A : memref<!tpu.dma_semaphore, #tpu.memory_space<semaphore_mem>>) src(%dma_wait3A_22 : memref<512xi32, #tpu.memory_space<hbm>>) dst(%arg7 : memref<512xi32, #tpu.memory_space<vmem>>)
      tpu.yield
    }) : () -> ()
    %dma_start3A = arith.constant 0 : i32
    %dma_start3A_3 = tpu.memref_slice %arg7[%dma_start3A] : memref<512xi32, #tpu.memory_space<vmem>> -> memref<128xi32, #tpu.memory_space<vmem>>
    %dma_start3A_4 = arith.constant 0 : i32
    %dma_start3A_5 = arith.constant 0 : i32
    %dma_start3A_6 = tpu.memref_slice %arg3[%dma_start3A_4, %dma_start3A_5] : memref<100000x128xf32, #tpu.memory_space<hbm>> -> memref<100000x128xf32, #tpu.memory_space<hbm>>
    tpu.enqueue_indirect_dma source(%dma_start3A_6 : memref<100000x128xf32, #tpu.memory_space<hbm>>) target(%arg5 : memref<128x128xf32, #tpu.memory_space<vmem>>) offsets(%dma_start3A_3 : memref<128xi32, #tpu.memory_space<vmem>>) semaphore(%arg8 : memref<!tpu.dma_semaphore, #tpu.memory_space<semaphore_mem>>)
    %scan3A = arith.constant 0 : i32
    %scan3A_7 = arith.constant 0 : i32
    %scan3A_8 = arith.constant 2 : i32
    %scan3A_9 = arith.addi %scan3A_7, %scan3A_8 : i32
    %scan3A_10 = arith.constant 1 : i32
    scf.for %scan3A_19 = %scan3A_7 to %scan3A_9 step %scan3A_10  : i32 {
      %mul3A_20 = arith.constant 2 : i32
      %mul3A_21 = arith.muli %mul3A_20, %scan3A_19 : i32
      %gt3A = arith.constant 0 : i32
      %gt3A_22 = arith.cmpi sgt, %scan3A_19, %gt3A : i32
      %convert_element_type3A = arith.extui %gt3A_22 : i1 to i32
      %cond3A = arith.constant 0 : i32
      %cond3A_23 = arith.cmpi ne, %convert_element_type3A, %cond3A : i32
      scf.if %cond3A_23 {
        %dma_wait3A_66 = arith.constant 0 : i32
        %dma_wait3A_67 = tpu.memref_slice %arg4[%mul3A_2, %dma_wait3A_66] : memref<16384x128xf32, #tpu.memory_space<hbm>> -> memref<128x128xf32, #tpu.memory_space<hbm>>
        %dma_wait3A_68 = arith.constant 0 : i32
        %dma_wait3A_69 = tpu.memref_slice %arg4[%mul3A_2, %dma_wait3A_68] : memref<16384x128xf32, #tpu.memory_space<hbm>> -> memref<128x128xf32, #tpu.memory_space<hbm>>
        tpu.wait_dma2 semaphore(%arg11 : memref<!tpu.dma_semaphore, #tpu.memory_space<semaphore_mem>>) src(%arg6 : memref<128x128xf32, #tpu.memory_space<vmem>>) dst(%dma_wait3A_69 : memref<128x128xf32, #tpu.memory_space<hbm>>)
      } else {
      }
      %add3A_24 = arith.constant 1 : i32
      %add3A_25 = arith.addi %mul3A_21, %add3A_24 : i32
      %mul3A_26 = arith.constant 128 : i32
      %mul3A_27 = arith.muli %add3A_25, %mul3A_26 : i32
      %dma_start3A_28 = tpu.memref_slice %arg7[%mul3A_27] : memref<512xi32, #tpu.memory_space<vmem>> -> memref<128xi32, #tpu.memory_space<vmem>>
      %dma_start3A_29 = arith.constant 0 : i32
      %dma_start3A_30 = arith.constant 0 : i32
      %dma_start3A_31 = tpu.memref_slice %arg3[%dma_start3A_29, %dma_start3A_30] : memref<100000x128xf32, #tpu.memory_space<hbm>> -> memref<100000x128xf32, #tpu.memory_space<hbm>>
      tpu.enqueue_indirect_dma source(%dma_start3A_31 : memref<100000x128xf32, #tpu.memory_space<hbm>>) target(%arg6 : memref<128x128xf32, #tpu.memory_space<vmem>>) offsets(%dma_start3A_28 : memref<128xi32, #tpu.memory_space<vmem>>) semaphore(%arg9 : memref<!tpu.dma_semaphore, #tpu.memory_space<semaphore_mem>>)
      %mul3A_32 = arith.constant 128 : i32
      %mul3A_33 = arith.muli %mul3A_21, %mul3A_32 : i32
      %dma_wait3A_34 = tpu.memref_slice %arg7[%mul3A_33] : memref<512xi32, #tpu.memory_space<vmem>> -> memref<128xi32, #tpu.memory_space<vmem>>
      %dma_wait3A_35 = arith.constant 0 : i32
      %dma_wait3A_36 = arith.constant 0 : i32
      %dma_wait3A_37 = tpu.memref_slice %arg3[%dma_wait3A_35, %dma_wait3A_36] : memref<100000x128xf32, #tpu.memory_space<hbm>> -> memref<100000x128xf32, #tpu.memory_space<hbm>>
      tpu.wait_indirect_dma semaphore(%arg8 : memref<!tpu.dma_semaphore, #tpu.memory_space<semaphore_mem>>) src(%dma_wait3A_37 : memref<100000x128xf32, #tpu.memory_space<hbm>>) dst(%arg5 : memref<128x128xf32, #tpu.memory_space<vmem>>)
      %mul3A_38 = arith.constant 128 : i32
      %mul3A_39 = arith.muli %mul3A_21, %mul3A_38 : i32
      %add3A_40 = arith.addi %mul3A_2, %mul3A_39 : i32
      %dma_start3A_41 = arith.constant 0 : i32
      %dma_start3A_42 = tpu.memref_slice %arg4[%add3A_40, %dma_start3A_41] : memref<16384x128xf32, #tpu.memory_space<hbm>> -> memref<128x128xf32, #tpu.memory_space<hbm>>
      %dma_start3A_43 = arith.constant 0 : i32
      %dma_start3A_44 = tpu.memref_slice %arg4[%add3A_40, %dma_start3A_43] : memref<16384x128xf32, #tpu.memory_space<hbm>> -> memref<128x128xf32, #tpu.memory_space<hbm>>
      tpu.enqueue_dma source(%arg5 : memref<128x128xf32, #tpu.memory_space<vmem>>) target(%dma_start3A_44 : memref<128x128xf32, #tpu.memory_space<hbm>>) target_semaphore(%arg10 : memref<!tpu.dma_semaphore, #tpu.memory_space<semaphore_mem>>)
      %lt3A = arith.constant 1 : i32
      %lt3A_45 = arith.cmpi slt, %scan3A_19, %lt3A : i32
      %convert_element_type3A_46 = arith.extui %lt3A_45 : i1 to i32
      %cond3A_47 = arith.constant 0 : i32
      %cond3A_48 = arith.cmpi ne, %convert_element_type3A_46, %cond3A_47 : i32
      scf.if %cond3A_48 {
        %dma_wait3A_66 = arith.constant 0 : i32
        %dma_wait3A_67 = tpu.memref_slice %arg4[%mul3A_2, %dma_wait3A_66] : memref<16384x128xf32, #tpu.memory_space<hbm>> -> memref<128x128xf32, #tpu.memory_space<hbm>>
        %dma_wait3A_68 = arith.constant 0 : i32
        %dma_wait3A_69 = tpu.memref_slice %arg4[%mul3A_2, %dma_wait3A_68] : memref<16384x128xf32, #tpu.memory_space<hbm>> -> memref<128x128xf32, #tpu.memory_space<hbm>>
        tpu.wait_dma2 semaphore(%arg10 : memref<!tpu.dma_semaphore, #tpu.memory_space<semaphore_mem>>) src(%arg5 : memref<128x128xf32, #tpu.memory_space<vmem>>) dst(%dma_wait3A_69 : memref<128x128xf32, #tpu.memory_space<hbm>>)
        %add3A_70 = arith.constant 2 : i32
        %add3A_71 = arith.addi %mul3A_21, %add3A_70 : i32
        %mul3A_72 = arith.constant 128 : i32
        %mul3A_73 = arith.muli %add3A_71, %mul3A_72 : i32
        %dma_start3A_74 = tpu.memref_slice %arg7[%mul3A_73] : memref<512xi32, #tpu.memory_space<vmem>> -> memref<128xi32, #tpu.memory_space<vmem>>
        %dma_start3A_75 = arith.constant 0 : i32
        %dma_start3A_76 = arith.constant 0 : i32
        %dma_start3A_77 = tpu.memref_slice %arg3[%dma_start3A_75, %dma_start3A_76] : memref<100000x128xf32, #tpu.memory_space<hbm>> -> memref<100000x128xf32, #tpu.memory_space<hbm>>
        tpu.enqueue_indirect_dma source(%dma_start3A_77 : memref<100000x128xf32, #tpu.memory_space<hbm>>) target(%arg5 : memref<128x128xf32, #tpu.memory_space<vmem>>) offsets(%dma_start3A_74 : memref<128xi32, #tpu.memory_space<vmem>>) semaphore(%arg8 : memref<!tpu.dma_semaphore, #tpu.memory_space<semaphore_mem>>)
      } else {
      }
      %add3A_49 = arith.constant 1 : i32
      %add3A_50 = arith.addi %mul3A_21, %add3A_49 : i32
      %mul3A_51 = arith.constant 128 : i32
      %mul3A_52 = arith.muli %add3A_50, %mul3A_51 : i32
      %dma_wait3A_53 = tpu.memref_slice %arg7[%mul3A_52] : memref<512xi32, #tpu.memory_space<vmem>> -> memref<128xi32, #tpu.memory_space<vmem>>
      %dma_wait3A_54 = arith.constant 0 : i32
      %dma_wait3A_55 = arith.constant 0 : i32
      %dma_wait3A_56 = tpu.memref_slice %arg3[%dma_wait3A_54, %dma_wait3A_55] : memref<100000x128xf32, #tpu.memory_space<hbm>> -> memref<100000x128xf32, #tpu.memory_space<hbm>>
      tpu.wait_indirect_dma semaphore(%arg9 : memref<!tpu.dma_semaphore, #tpu.memory_space<semaphore_mem>>) src(%dma_wait3A_56 : memref<100000x128xf32, #tpu.memory_space<hbm>>) dst(%arg6 : memref<128x128xf32, #tpu.memory_space<vmem>>)
      %add3A_57 = arith.constant 1 : i32
      %add3A_58 = arith.addi %mul3A_21, %add3A_57 : i32
      %mul3A_59 = arith.constant 128 : i32
      %mul3A_60 = arith.muli %add3A_58, %mul3A_59 : i32
      %add3A_61 = arith.addi %mul3A_2, %mul3A_60 : i32
      %dma_start3A_62 = arith.constant 0 : i32
      %dma_start3A_63 = tpu.memref_slice %arg4[%add3A_61, %dma_start3A_62] : memref<16384x128xf32, #tpu.memory_space<hbm>> -> memref<128x128xf32, #tpu.memory_space<hbm>>
      %dma_start3A_64 = arith.constant 0 : i32
      %dma_start3A_65 = tpu.memref_slice %arg4[%add3A_61, %dma_start3A_64] : memref<16384x128xf32, #tpu.memory_space<hbm>> -> memref<128x128xf32, #tpu.memory_space<hbm>>
      tpu.enqueue_dma source(%arg6 : memref<128x128xf32, #tpu.memory_space<vmem>>) target(%dma_start3A_65 : memref<128x128xf32, #tpu.memory_space<hbm>>) target_semaphore(%arg11 : memref<!tpu.dma_semaphore, #tpu.memory_space<semaphore_mem>>)
    }
    %scan3A_11 = arith.constant 2 : i32
    %dma_wait3A = arith.constant 0 : i32
    %dma_wait3A_12 = tpu.memref_slice %arg4[%mul3A_2, %dma_wait3A] : memref<16384x128xf32, #tpu.memory_space<hbm>> -> memref<128x128xf32, #tpu.memory_space<hbm>>
    %dma_wait3A_13 = arith.constant 0 : i32
    %dma_wait3A_14 = tpu.memref_slice %arg4[%mul3A_2, %dma_wait3A_13] : memref<16384x128xf32, #tpu.memory_space<hbm>> -> memref<128x128xf32, #tpu.memory_space<hbm>>
    tpu.wait_dma2 semaphore(%arg10 : memref<!tpu.dma_semaphore, #tpu.memory_space<semaphore_mem>>) src(%arg5 : memref<128x128xf32, #tpu.memory_space<vmem>>) dst(%dma_wait3A_14 : memref<128x128xf32, #tpu.memory_space<hbm>>)
    %dma_wait3A_15 = arith.constant 0 : i32
    %dma_wait3A_16 = tpu.memref_slice %arg4[%mul3A_2, %dma_wait3A_15] : memref<16384x128xf32, #tpu.memory_space<hbm>> -> memref<128x128xf32, #tpu.memory_space<hbm>>
    %dma_wait3A_17 = arith.constant 0 : i32
    %dma_wait3A_18 = tpu.memref_slice %arg4[%mul3A_2, %dma_wait3A_17] : memref<16384x128xf32, #tpu.memory_space<hbm>> -> memref<128x128xf32, #tpu.memory_space<hbm>>
    tpu.wait_dma2 semaphore(%arg11 : memref<!tpu.dma_semaphore, #tpu.memory_space<semaphore_mem>>) src(%arg6 : memref<128x128xf32, #tpu.memory_space<vmem>>) dst(%dma_wait3A_18 : memref<128x128xf32, #tpu.memory_space<hbm>>)
    return
  }
}

module attributes {stable_mosaic.version = 14 : i64} {
  func.func @_ln_body1(%arg0: i32, %arg1: memref<32768x128xf32, #tpu.memory_space<hbm>>, %arg2: memref<8192x128xf32, #tpu.memory_space<vmem>>, %arg3: memref<1x512x16xf32, #tpu.memory_space<vmem>>, %arg4: memref<512x128xf32, #tpu.memory_space<vmem>>, %arg5: memref<2x128xf32, #tpu.memory_space<vmem>>, %arg6: memref<1x128xf32, #tpu.memory_space<vmem>>, %arg7: memref<1x128xf32, #tpu.memory_space<vmem>>, %arg8: memref<8192x128xf32, #tpu.memory_space<vmem>>) attributes {dimension_semantics = [#tpu.dimension_semantics<arbitrary>], iteration_bounds = array<i64: 2>, scalar_prefetch = 0 : i64, scratch_operands = 0 : i64, tpu.core_type = #tpu.core_type<tc>, window_params = [{}, {transform_indices = @transform_1, window_bounds = array<i64: 8192, 128>}, {transform_indices = @transform_2, window_bounds = array<i64: 1, 512, 16>}, {pipeline_mode = #tpu.pipeline_mode<synchronous>, transform_indices = @transform_3, window_bounds = array<i64: 512, 128>}, {pipeline_mode = #tpu.pipeline_mode<synchronous>, transform_indices = @transform_4, window_bounds = array<i64: 2, 128>}, {pipeline_mode = #tpu.pipeline_mode<synchronous>, transform_indices = @transform_5, window_bounds = array<i64: 1, 128>}, {pipeline_mode = #tpu.pipeline_mode<synchronous>, transform_indices = @transform_6, window_bounds = array<i64: 1, 128>}, {transform_indices = @transform_7, window_bounds = array<i64: 8192, 128>}]} {
    %get3A = arith.constant 0 : index
    %get3A_0 = arith.constant 0 : index
    %get3A_1 = vector.load %arg4[%get3A, %get3A_0] : memref<512x128xf32, #tpu.memory_space<vmem>>, vector<512x128xf32>
    %get3A_2 = arith.constant 0 : index
    %get3A_3 = arith.constant 0 : index
    %get3A_4 = vector.load %arg5[%get3A_2, %get3A_3] : memref<2x128xf32, #tpu.memory_space<vmem>>, vector<1x128xf32>
    %get3A_5 = vector.shape_cast %get3A_4 : vector<1x128xf32> to vector<128xf32>
    %broadcast_in_dim3A = vector.shape_cast %get3A_5 : vector<128xf32> to vector<1x128xf32>
    %get3A_6 = arith.constant 1 : index
    %get3A_7 = arith.constant 0 : index
    %get3A_8 = vector.load %arg5[%get3A_6, %get3A_7] : memref<2x128xf32, #tpu.memory_space<vmem>>, vector<1x128xf32>
    %get3A_9 = vector.shape_cast %get3A_8 : vector<1x128xf32> to vector<128xf32>
    %broadcast_in_dim3A_10 = vector.shape_cast %get3A_9 : vector<128xf32> to vector<1x128xf32>
    %sub3A = arith.subf %broadcast_in_dim3A_10, %broadcast_in_dim3A : vector<1x128xf32>
    %get3A_11 = arith.constant 0 : index
    %get3A_12 = arith.constant 0 : index
    %get3A_13 = vector.load %arg6[%get3A_11, %get3A_12] : memref<1x128xf32, #tpu.memory_space<vmem>>, vector<1x128xf32>
    %get3A_14 = arith.constant 0 : index
    %get3A_15 = arith.constant 0 : index
    %get3A_16 = vector.load %arg7[%get3A_14, %get3A_15] : memref<1x128xf32, #tpu.memory_space<vmem>>, vector<1x128xf32>
    %broadcast_in_dim3A_17 = arith.constant 7.812500e-03 : f32
    %broadcast_in_dim3A_18 = vector.broadcast %broadcast_in_dim3A_17 : f32 to vector<128x128xf32>
    %get3A_19 = arith.constant 0 : index
    %get3A_20 = arith.constant 0 : index
    %get3A_21 = arith.constant 0 : index
    %get3A_22 = vector.load %arg3[%get3A_19, %get3A_20, %get3A_21] : memref<1x512x16xf32, #tpu.memory_space<vmem>>, vector<1x512x1xf32>
    %get3A_23 = vector.shape_cast %get3A_22 : vector<1x512x1xf32> to vector<512xf32>
    %broadcast_in_dim3A_24 = vector.shape_cast %get3A_23 : vector<512xf32> to vector<512x1xf32>
    %get3A_25 = arith.constant 0 : index
    %get3A_26 = arith.constant 0 : index
    %get3A_27 = vector.load %arg2[%get3A_25, %get3A_26] : memref<8192x128xf32, #tpu.memory_space<vmem>>, vector<512x128xf32>
    %add3A = arith.addf %get3A_27, %get3A_1 : vector<512x128xf32>
    %add3A_28 = vector.broadcast %broadcast_in_dim3A : vector<1x128xf32> to vector<512x128xf32>
    %add3A_29 = arith.addf %add3A, %add3A_28 : vector<512x128xf32>
    %mul3A = vector.broadcast %broadcast_in_dim3A_24 : vector<512x1xf32> to vector<512x128xf32>
    %mul3A_30 = vector.broadcast %sub3A : vector<1x128xf32> to vector<512x128xf32>
    %mul3A_31 = arith.mulf %mul3A, %mul3A_30 : vector<512x128xf32>
    %add3A_32 = arith.addf %add3A_29, %mul3A_31 : vector<512x128xf32>
    %dot_general3A = arith.constant dense<0.000000e+00> : vector<512x128xf32>
    %dot_general3A_33 = tpu.matmul %add3A_32, %broadcast_in_dim3A_18, %dot_general3A {dimension_numbers = #tpu.dot_dimension_numbers<[1], [0], [0], [1], [0, 0, 1, 1], [], []>, transpose_lhs_hint = false} : vector<512x128xf32>, vector<128x128xf32>, vector<512x128xf32> -> vector<512x128xf32>
    %mul3A_34 = arith.mulf %add3A_32, %add3A_32 : vector<512x128xf32>
    %dot_general3A_35 = arith.constant dense<0.000000e+00> : vector<512x128xf32>
    %dot_general3A_36 = tpu.matmul %mul3A_34, %broadcast_in_dim3A_18, %dot_general3A_35 {dimension_numbers = #tpu.dot_dimension_numbers<[1], [0], [0], [1], [0, 0, 1, 1], [], []>, transpose_lhs_hint = false} : vector<512x128xf32>, vector<128x128xf32>, vector<512x128xf32> -> vector<512x128xf32>
    %mul3A_37 = arith.mulf %dot_general3A_33, %dot_general3A_33 : vector<512x128xf32>
    %sub3A_38 = arith.subf %dot_general3A_36, %mul3A_37 : vector<512x128xf32>
    %sub3A_39 = arith.subf %add3A_32, %dot_general3A_33 : vector<512x128xf32>
    %add3A_40 = arith.constant 9.99999996E-13 : f32
    %add3A_41 = vector.broadcast %add3A_40 : f32 to vector<512x128xf32>
    %add3A_42 = arith.addf %sub3A_38, %add3A_41 : vector<512x128xf32>
    %rsqrt3A = math.rsqrt %add3A_42 : vector<512x128xf32>
    %mul3A_43 = arith.mulf %sub3A_39, %rsqrt3A : vector<512x128xf32>
    %mul3A_44 = vector.broadcast %get3A_13 : vector<1x128xf32> to vector<512x128xf32>
    %mul3A_45 = arith.mulf %mul3A_43, %mul3A_44 : vector<512x128xf32>
    %add3A_46 = vector.broadcast %get3A_16 : vector<1x128xf32> to vector<512x128xf32>
    %add3A_47 = arith.addf %mul3A_45, %add3A_46 : vector<512x128xf32>
    %swap3A = arith.constant 0 : index
    %swap3A_48 = arith.constant 0 : index
    %swap3A_49 = vector.load %arg8[%swap3A, %swap3A_48] : memref<8192x128xf32, #tpu.memory_space<vmem>>, vector<512x128xf32>
    tpu.vector_store %arg8[%swap3A, %swap3A_48], %add3A_47 {strides = array<i32>} : memref<8192x128xf32, #tpu.memory_space<vmem>>, vector<512x128xf32>,
    %get3A_50 = arith.constant 0 : index
    %get3A_51 = arith.constant 0 : index
    %get3A_52 = arith.constant 1 : index
    %get3A_53 = vector.load %arg3[%get3A_50, %get3A_51, %get3A_52] : memref<1x512x16xf32, #tpu.memory_space<vmem>>, vector<1x512x1xf32>
    %get3A_54 = vector.shape_cast %get3A_53 : vector<1x512x1xf32> to vector<512xf32>
    %broadcast_in_dim3A_55 = vector.shape_cast %get3A_54 : vector<512xf32> to vector<512x1xf32>
    %get3A_56 = arith.constant 512 : index
    %get3A_57 = arith.constant 0 : index
    %get3A_58 = vector.load %arg2[%get3A_56, %get3A_57] : memref<8192x128xf32, #tpu.memory_space<vmem>>, vector<512x128xf32>
    %add3A_59 = arith.addf %get3A_58, %get3A_1 : vector<512x128xf32>
    %add3A_60 = vector.broadcast %broadcast_in_dim3A : vector<1x128xf32> to vector<512x128xf32>
    %add3A_61 = arith.addf %add3A_59, %add3A_60 : vector<512x128xf32>
    %mul3A_62 = vector.broadcast %broadcast_in_dim3A_55 : vector<512x1xf32> to vector<512x128xf32>
    %mul3A_63 = vector.broadcast %sub3A : vector<1x128xf32> to vector<512x128xf32>
    %mul3A_64 = arith.mulf %mul3A_62, %mul3A_63 : vector<512x128xf32>
    %add3A_65 = arith.addf %add3A_61, %mul3A_64 : vector<512x128xf32>
    %dot_general3A_66 = arith.constant dense<0.000000e+00> : vector<512x128xf32>
    %dot_general3A_67 = tpu.matmul %add3A_65, %broadcast_in_dim3A_18, %dot_general3A_66 {dimension_numbers = #tpu.dot_dimension_numbers<[1], [0], [0], [1], [0, 0, 1, 1], [], []>, transpose_lhs_hint = false} : vector<512x128xf32>, vector<128x128xf32>, vector<512x128xf32> -> vector<512x128xf32>
    %mul3A_68 = arith.mulf %add3A_65, %add3A_65 : vector<512x128xf32>
    %dot_general3A_69 = arith.constant dense<0.000000e+00> : vector<512x128xf32>
    %dot_general3A_70 = tpu.matmul %mul3A_68, %broadcast_in_dim3A_18, %dot_general3A_69 {dimension_numbers = #tpu.dot_dimension_numbers<[1], [0], [0], [1], [0, 0, 1, 1], [], []>, transpose_lhs_hint = false} : vector<512x128xf32>, vector<128x128xf32>, vector<512x128xf32> -> vector<512x128xf32>
    %mul3A_71 = arith.mulf %dot_general3A_67, %dot_general3A_67 : vector<512x128xf32>
    %sub3A_72 = arith.subf %dot_general3A_70, %mul3A_71 : vector<512x128xf32>
    %sub3A_73 = arith.subf %add3A_65, %dot_general3A_67 : vector<512x128xf32>
    %add3A_74 = arith.constant 9.99999996E-13 : f32
    %add3A_75 = vector.broadcast %add3A_74 : f32 to vector<512x128xf32>
    %add3A_76 = arith.addf %sub3A_72, %add3A_75 : vector<512x128xf32>
    %rsqrt3A_77 = math.rsqrt %add3A_76 : vector<512x128xf32>
    %mul3A_78 = arith.mulf %sub3A_73, %rsqrt3A_77 : vector<512x128xf32>
    %mul3A_79 = vector.broadcast %get3A_13 : vector<1x128xf32> to vector<512x128xf32>
    %mul3A_80 = arith.mulf %mul3A_78, %mul3A_79 : vector<512x128xf32>
    %add3A_81 = vector.broadcast %get3A_16 : vector<1x128xf32> to vector<512x128xf32>
    %add3A_82 = arith.addf %mul3A_80, %add3A_81 : vector<512x128xf32>
    %swap3A_83 = arith.constant 512 : index
    %swap3A_84 = arith.constant 0 : index
    %swap3A_85 = vector.load %arg8[%swap3A_83, %swap3A_84] : memref<8192x128xf32, #tpu.memory_space<vmem>>, vector<512x128xf32>
    tpu.vector_store %arg8[%swap3A_83, %swap3A_84], %add3A_82 {strides = array<i32>} : memref<8192x128xf32, #tpu.memory_space<vmem>>, vector<512x128xf32>,
    %get3A_86 = arith.constant 0 : index
    %get3A_87 = arith.constant 0 : index
    %get3A_88 = arith.constant 2 : index
    %get3A_89 = vector.load %arg3[%get3A_86, %get3A_87, %get3A_88] : memref<1x512x16xf32, #tpu.memory_space<vmem>>, vector<1x512x1xf32>
    %get3A_90 = vector.shape_cast %get3A_89 : vector<1x512x1xf32> to vector<512xf32>
    %broadcast_in_dim3A_91 = vector.shape_cast %get3A_90 : vector<512xf32> to vector<512x1xf32>
    %get3A_92 = arith.constant 1024 : index
    %get3A_93 = arith.constant 0 : index
    %get3A_94 = vector.load %arg2[%get3A_92, %get3A_93] : memref<8192x128xf32, #tpu.memory_space<vmem>>, vector<512x128xf32>
    %add3A_95 = arith.addf %get3A_94, %get3A_1 : vector<512x128xf32>
    %add3A_96 = vector.broadcast %broadcast_in_dim3A : vector<1x128xf32> to vector<512x128xf32>
    %add3A_97 = arith.addf %add3A_95, %add3A_96 : vector<512x128xf32>
    %mul3A_98 = vector.broadcast %broadcast_in_dim3A_91 : vector<512x1xf32> to vector<512x128xf32>
    %mul3A_99 = vector.broadcast %sub3A : vector<1x128xf32> to vector<512x128xf32>
    %mul3A_100 = arith.mulf %mul3A_98, %mul3A_99 : vector<512x128xf32>
    %add3A_101 = arith.addf %add3A_97, %mul3A_100 : vector<512x128xf32>
    %dot_general3A_102 = arith.constant dense<0.000000e+00> : vector<512x128xf32>
    %dot_general3A_103 = tpu.matmul %add3A_101, %broadcast_in_dim3A_18, %dot_general3A_102 {dimension_numbers = #tpu.dot_dimension_numbers<[1], [0], [0], [1], [0, 0, 1, 1], [], []>, transpose_lhs_hint = false} : vector<512x128xf32>, vector<128x128xf32>, vector<512x128xf32> -> vector<512x128xf32>
    %mul3A_104 = arith.mulf %add3A_101, %add3A_101 : vector<512x128xf32>
    %dot_general3A_105 = arith.constant dense<0.000000e+00> : vector<512x128xf32>
    %dot_general3A_106 = tpu.matmul %mul3A_104, %broadcast_in_dim3A_18, %dot_general3A_105 {dimension_numbers = #tpu.dot_dimension_numbers<[1], [0], [0], [1], [0, 0, 1, 1], [], []>, transpose_lhs_hint = false} : vector<512x128xf32>, vector<128x128xf32>, vector<512x128xf32> -> vector<512x128xf32>
    %mul3A_107 = arith.mulf %dot_general3A_103, %dot_general3A_103 : vector<512x128xf32>
    %sub3A_108 = arith.subf %dot_general3A_106, %mul3A_107 : vector<512x128xf32>
    %sub3A_109 = arith.subf %add3A_101, %dot_general3A_103 : vector<512x128xf32>
    %add3A_110 = arith.constant 9.99999996E-13 : f32
    %add3A_111 = vector.broadcast %add3A_110 : f32 to vector<512x128xf32>
    %add3A_112 = arith.addf %sub3A_108, %add3A_111 : vector<512x128xf32>
    %rsqrt3A_113 = math.rsqrt %add3A_112 : vector<512x128xf32>
    %mul3A_114 = arith.mulf %sub3A_109, %rsqrt3A_113 : vector<512x128xf32>
    %mul3A_115 = vector.broadcast %get3A_13 : vector<1x128xf32> to vector<512x128xf32>
    %mul3A_116 = arith.mulf %mul3A_114, %mul3A_115 : vector<512x128xf32>
    %add3A_117 = vector.broadcast %get3A_16 : vector<1x128xf32> to vector<512x128xf32>
    %add3A_118 = arith.addf %mul3A_116, %add3A_117 : vector<512x128xf32>
    %swap3A_119 = arith.constant 1024 : index
    %swap3A_120 = arith.constant 0 : index
    %swap3A_121 = vector.load %arg8[%swap3A_119, %swap3A_120] : memref<8192x128xf32, #tpu.memory_space<vmem>>, vector<512x128xf32>
    tpu.vector_store %arg8[%swap3A_119, %swap3A_120], %add3A_118 {strides = array<i32>} : memref<8192x128xf32, #tpu.memory_space<vmem>>, vector<512x128xf32>,
    %get3A_122 = arith.constant 0 : index
    %get3A_123 = arith.constant 0 : index
    %get3A_124 = arith.constant 3 : index
    %get3A_125 = vector.load %arg3[%get3A_122, %get3A_123, %get3A_124] : memref<1x512x16xf32, #tpu.memory_space<vmem>>, vector<1x512x1xf32>
    %get3A_126 = vector.shape_cast %get3A_125 : vector<1x512x1xf32> to vector<512xf32>
    %broadcast_in_dim3A_127 = vector.shape_cast %get3A_126 : vector<512xf32> to vector<512x1xf32>
    %get3A_128 = arith.constant 1536 : index
    %get3A_129 = arith.constant 0 : index
    %get3A_130 = vector.load %arg2[%get3A_128, %get3A_129] : memref<8192x128xf32, #tpu.memory_space<vmem>>, vector<512x128xf32>
    %add3A_131 = arith.addf %get3A_130, %get3A_1 : vector<512x128xf32>
    %add3A_132 = vector.broadcast %broadcast_in_dim3A : vector<1x128xf32> to vector<512x128xf32>
    %add3A_133 = arith.addf %add3A_131, %add3A_132 : vector<512x128xf32>
    %mul3A_134 = vector.broadcast %broadcast_in_dim3A_127 : vector<512x1xf32> to vector<512x128xf32>
    %mul3A_135 = vector.broadcast %sub3A : vector<1x128xf32> to vector<512x128xf32>
    %mul3A_136 = arith.mulf %mul3A_134, %mul3A_135 : vector<512x128xf32>
    %add3A_137 = arith.addf %add3A_133, %mul3A_136 : vector<512x128xf32>
    %dot_general3A_138 = arith.constant dense<0.000000e+00> : vector<512x128xf32>
    %dot_general3A_139 = tpu.matmul %add3A_137, %broadcast_in_dim3A_18, %dot_general3A_138 {dimension_numbers = #tpu.dot_dimension_numbers<[1], [0], [0], [1], [0, 0, 1, 1], [], []>, transpose_lhs_hint = false} : vector<512x128xf32>, vector<128x128xf32>, vector<512x128xf32> -> vector<512x128xf32>
    %mul3A_140 = arith.mulf %add3A_137, %add3A_137 : vector<512x128xf32>
    %dot_general3A_141 = arith.constant dense<0.000000e+00> : vector<512x128xf32>
    %dot_general3A_142 = tpu.matmul %mul3A_140, %broadcast_in_dim3A_18, %dot_general3A_141 {dimension_numbers = #tpu.dot_dimension_numbers<[1], [0], [0], [1], [0, 0, 1, 1], [], []>, transpose_lhs_hint = false} : vector<512x128xf32>, vector<128x128xf32>, vector<512x128xf32> -> vector<512x128xf32>
    %mul3A_143 = arith.mulf %dot_general3A_139, %dot_general3A_139 : vector<512x128xf32>
    %sub3A_144 = arith.subf %dot_general3A_142, %mul3A_143 : vector<512x128xf32>
    %sub3A_145 = arith.subf %add3A_137, %dot_general3A_139 : vector<512x128xf32>
    %add3A_146 = arith.constant 9.99999996E-13 : f32
    %add3A_147 = vector.broadcast %add3A_146 : f32 to vector<512x128xf32>
    %add3A_148 = arith.addf %sub3A_144, %add3A_147 : vector<512x128xf32>
    %rsqrt3A_149 = math.rsqrt %add3A_148 : vector<512x128xf32>
    %mul3A_150 = arith.mulf %sub3A_145, %rsqrt3A_149 : vector<512x128xf32>
    %mul3A_151 = vector.broadcast %get3A_13 : vector<1x128xf32> to vector<512x128xf32>
    %mul3A_152 = arith.mulf %mul3A_150, %mul3A_151 : vector<512x128xf32>
    %add3A_153 = vector.broadcast %get3A_16 : vector<1x128xf32> to vector<512x128xf32>
    %add3A_154 = arith.addf %mul3A_152, %add3A_153 : vector<512x128xf32>
    %swap3A_155 = arith.constant 1536 : index
    %swap3A_156 = arith.constant 0 : index
    %swap3A_157 = vector.load %arg8[%swap3A_155, %swap3A_156] : memref<8192x128xf32, #tpu.memory_space<vmem>>, vector<512x128xf32>
    tpu.vector_store %arg8[%swap3A_155, %swap3A_156], %add3A_154 {strides = array<i32>} : memref<8192x128xf32, #tpu.memory_space<vmem>>, vector<512x128xf32>,
    %get3A_158 = arith.constant 0 : index
    %get3A_159 = arith.constant 0 : index
    %get3A_160 = arith.constant 4 : index
    %get3A_161 = vector.load %arg3[%get3A_158, %get3A_159, %get3A_160] : memref<1x512x16xf32, #tpu.memory_space<vmem>>, vector<1x512x1xf32>
    %get3A_162 = vector.shape_cast %get3A_161 : vector<1x512x1xf32> to vector<512xf32>
    %broadcast_in_dim3A_163 = vector.shape_cast %get3A_162 : vector<512xf32> to vector<512x1xf32>
    %get3A_164 = arith.constant 2048 : index
    %get3A_165 = arith.constant 0 : index
    %get3A_166 = vector.load %arg2[%get3A_164, %get3A_165] : memref<8192x128xf32, #tpu.memory_space<vmem>>, vector<512x128xf32>
    %add3A_167 = arith.addf %get3A_166, %get3A_1 : vector<512x128xf32>
    %add3A_168 = vector.broadcast %broadcast_in_dim3A : vector<1x128xf32> to vector<512x128xf32>
    %add3A_169 = arith.addf %add3A_167, %add3A_168 : vector<512x128xf32>
    %mul3A_170 = vector.broadcast %broadcast_in_dim3A_163 : vector<512x1xf32> to vector<512x128xf32>
    %mul3A_171 = vector.broadcast %sub3A : vector<1x128xf32> to vector<512x128xf32>
    %mul3A_172 = arith.mulf %mul3A_170, %mul3A_171 : vector<512x128xf32>
    %add3A_173 = arith.addf %add3A_169, %mul3A_172 : vector<512x128xf32>
    %dot_general3A_174 = arith.constant dense<0.000000e+00> : vector<512x128xf32>
    %dot_general3A_175 = tpu.matmul %add3A_173, %broadcast_in_dim3A_18, %dot_general3A_174 {dimension_numbers = #tpu.dot_dimension_numbers<[1], [0], [0], [1], [0, 0, 1, 1], [], []>, transpose_lhs_hint = false} : vector<512x128xf32>, vector<128x128xf32>, vector<512x128xf32> -> vector<512x128xf32>
    %mul3A_176 = arith.mulf %add3A_173, %add3A_173 : vector<512x128xf32>
    %dot_general3A_177 = arith.constant dense<0.000000e+00> : vector<512x128xf32>
    %dot_general3A_178 = tpu.matmul %mul3A_176, %broadcast_in_dim3A_18, %dot_general3A_177 {dimension_numbers = #tpu.dot_dimension_numbers<[1], [0], [0], [1], [0, 0, 1, 1], [], []>, transpose_lhs_hint = false} : vector<512x128xf32>, vector<128x128xf32>, vector<512x128xf32> -> vector<512x128xf32>
    %mul3A_179 = arith.mulf %dot_general3A_175, %dot_general3A_175 : vector<512x128xf32>
    %sub3A_180 = arith.subf %dot_general3A_178, %mul3A_179 : vector<512x128xf32>
    %sub3A_181 = arith.subf %add3A_173, %dot_general3A_175 : vector<512x128xf32>
    %add3A_182 = arith.constant 9.99999996E-13 : f32
    %add3A_183 = vector.broadcast %add3A_182 : f32 to vector<512x128xf32>
    %add3A_184 = arith.addf %sub3A_180, %add3A_183 : vector<512x128xf32>
    %rsqrt3A_185 = math.rsqrt %add3A_184 : vector<512x128xf32>
    %mul3A_186 = arith.mulf %sub3A_181, %rsqrt3A_185 : vector<512x128xf32>
    %mul3A_187 = vector.broadcast %get3A_13 : vector<1x128xf32> to vector<512x128xf32>
    %mul3A_188 = arith.mulf %mul3A_186, %mul3A_187 : vector<512x128xf32>
    %add3A_189 = vector.broadcast %get3A_16 : vector<1x128xf32> to vector<512x128xf32>
    %add3A_190 = arith.addf %mul3A_188, %add3A_189 : vector<512x128xf32>
    %swap3A_191 = arith.constant 2048 : index
    %swap3A_192 = arith.constant 0 : index
    %swap3A_193 = vector.load %arg8[%swap3A_191, %swap3A_192] : memref<8192x128xf32, #tpu.memory_space<vmem>>, vector<512x128xf32>
    tpu.vector_store %arg8[%swap3A_191, %swap3A_192], %add3A_190 {strides = array<i32>} : memref<8192x128xf32, #tpu.memory_space<vmem>>, vector<512x128xf32>,
    %get3A_194 = arith.constant 0 : index
    %get3A_195 = arith.constant 0 : index
    %get3A_196 = arith.constant 5 : index
    %get3A_197 = vector.load %arg3[%get3A_194, %get3A_195, %get3A_196] : memref<1x512x16xf32, #tpu.memory_space<vmem>>, vector<1x512x1xf32>
    %get3A_198 = vector.shape_cast %get3A_197 : vector<1x512x1xf32> to vector<512xf32>
    %broadcast_in_dim3A_199 = vector.shape_cast %get3A_198 : vector<512xf32> to vector<512x1xf32>
    %get3A_200 = arith.constant 2560 : index
    %get3A_201 = arith.constant 0 : index
    %get3A_202 = vector.load %arg2[%get3A_200, %get3A_201] : memref<8192x128xf32, #tpu.memory_space<vmem>>, vector<512x128xf32>
    %add3A_203 = arith.addf %get3A_202, %get3A_1 : vector<512x128xf32>
    %add3A_204 = vector.broadcast %broadcast_in_dim3A : vector<1x128xf32> to vector<512x128xf32>
    %add3A_205 = arith.addf %add3A_203, %add3A_204 : vector<512x128xf32>
    %mul3A_206 = vector.broadcast %broadcast_in_dim3A_199 : vector<512x1xf32> to vector<512x128xf32>
    %mul3A_207 = vector.broadcast %sub3A : vector<1x128xf32> to vector<512x128xf32>
    %mul3A_208 = arith.mulf %mul3A_206, %mul3A_207 : vector<512x128xf32>
    %add3A_209 = arith.addf %add3A_205, %mul3A_208 : vector<512x128xf32>
    %dot_general3A_210 = arith.constant dense<0.000000e+00> : vector<512x128xf32>
    %dot_general3A_211 = tpu.matmul %add3A_209, %broadcast_in_dim3A_18, %dot_general3A_210 {dimension_numbers = #tpu.dot_dimension_numbers<[1], [0], [0], [1], [0, 0, 1, 1], [], []>, transpose_lhs_hint = false} : vector<512x128xf32>, vector<128x128xf32>, vector<512x128xf32> -> vector<512x128xf32>
    %mul3A_212 = arith.mulf %add3A_209, %add3A_209 : vector<512x128xf32>
    %dot_general3A_213 = arith.constant dense<0.000000e+00> : vector<512x128xf32>
    %dot_general3A_214 = tpu.matmul %mul3A_212, %broadcast_in_dim3A_18, %dot_general3A_213 {dimension_numbers = #tpu.dot_dimension_numbers<[1], [0], [0], [1], [0, 0, 1, 1], [], []>, transpose_lhs_hint = false} : vector<512x128xf32>, vector<128x128xf32>, vector<512x128xf32> -> vector<512x128xf32>
    %mul3A_215 = arith.mulf %dot_general3A_211, %dot_general3A_211 : vector<512x128xf32>
    %sub3A_216 = arith.subf %dot_general3A_214, %mul3A_215 : vector<512x128xf32>
    %sub3A_217 = arith.subf %add3A_209, %dot_general3A_211 : vector<512x128xf32>
    %add3A_218 = arith.constant 9.99999996E-13 : f32
    %add3A_219 = vector.broadcast %add3A_218 : f32 to vector<512x128xf32>
    %add3A_220 = arith.addf %sub3A_216, %add3A_219 : vector<512x128xf32>
    %rsqrt3A_221 = math.rsqrt %add3A_220 : vector<512x128xf32>
    %mul3A_222 = arith.mulf %sub3A_217, %rsqrt3A_221 : vector<512x128xf32>
    %mul3A_223 = vector.broadcast %get3A_13 : vector<1x128xf32> to vector<512x128xf32>
    %mul3A_224 = arith.mulf %mul3A_222, %mul3A_223 : vector<512x128xf32>
    %add3A_225 = vector.broadcast %get3A_16 : vector<1x128xf32> to vector<512x128xf32>
    %add3A_226 = arith.addf %mul3A_224, %add3A_225 : vector<512x128xf32>
    %swap3A_227 = arith.constant 2560 : index
    %swap3A_228 = arith.constant 0 : index
    %swap3A_229 = vector.load %arg8[%swap3A_227, %swap3A_228] : memref<8192x128xf32, #tpu.memory_space<vmem>>, vector<512x128xf32>
    tpu.vector_store %arg8[%swap3A_227, %swap3A_228], %add3A_226 {strides = array<i32>} : memref<8192x128xf32, #tpu.memory_space<vmem>>, vector<512x128xf32>,
    %get3A_230 = arith.constant 0 : index
    %get3A_231 = arith.constant 0 : index
    %get3A_232 = arith.constant 6 : index
    %get3A_233 = vector.load %arg3[%get3A_230, %get3A_231, %get3A_232] : memref<1x512x16xf32, #tpu.memory_space<vmem>>, vector<1x512x1xf32>
    %get3A_234 = vector.shape_cast %get3A_233 : vector<1x512x1xf32> to vector<512xf32>
    %broadcast_in_dim3A_235 = vector.shape_cast %get3A_234 : vector<512xf32> to vector<512x1xf32>
    %get3A_236 = arith.constant 3072 : index
    %get3A_237 = arith.constant 0 : index
    %get3A_238 = vector.load %arg2[%get3A_236, %get3A_237] : memref<8192x128xf32, #tpu.memory_space<vmem>>, vector<512x128xf32>
    %add3A_239 = arith.addf %get3A_238, %get3A_1 : vector<512x128xf32>
    %add3A_240 = vector.broadcast %broadcast_in_dim3A : vector<1x128xf32> to vector<512x128xf32>
    %add3A_241 = arith.addf %add3A_239, %add3A_240 : vector<512x128xf32>
    %mul3A_242 = vector.broadcast %broadcast_in_dim3A_235 : vector<512x1xf32> to vector<512x128xf32>
    %mul3A_243 = vector.broadcast %sub3A : vector<1x128xf32> to vector<512x128xf32>
    %mul3A_244 = arith.mulf %mul3A_242, %mul3A_243 : vector<512x128xf32>
    %add3A_245 = arith.addf %add3A_241, %mul3A_244 : vector<512x128xf32>
    %dot_general3A_246 = arith.constant dense<0.000000e+00> : vector<512x128xf32>
    %dot_general3A_247 = tpu.matmul %add3A_245, %broadcast_in_dim3A_18, %dot_general3A_246 {dimension_numbers = #tpu.dot_dimension_numbers<[1], [0], [0], [1], [0, 0, 1, 1], [], []>, transpose_lhs_hint = false} : vector<512x128xf32>, vector<128x128xf32>, vector<512x128xf32> -> vector<512x128xf32>
    %mul3A_248 = arith.mulf %add3A_245, %add3A_245 : vector<512x128xf32>
    %dot_general3A_249 = arith.constant dense<0.000000e+00> : vector<512x128xf32>
    %dot_general3A_250 = tpu.matmul %mul3A_248, %broadcast_in_dim3A_18, %dot_general3A_249 {dimension_numbers = #tpu.dot_dimension_numbers<[1], [0], [0], [1], [0, 0, 1, 1], [], []>, transpose_lhs_hint = false} : vector<512x128xf32>, vector<128x128xf32>, vector<512x128xf32> -> vector<512x128xf32>
    %mul3A_251 = arith.mulf %dot_general3A_247, %dot_general3A_247 : vector<512x128xf32>
    %sub3A_252 = arith.subf %dot_general3A_250, %mul3A_251 : vector<512x128xf32>
    %sub3A_253 = arith.subf %add3A_245, %dot_general3A_247 : vector<512x128xf32>
    %add3A_254 = arith.constant 9.99999996E-13 : f32
    %add3A_255 = vector.broadcast %add3A_254 : f32 to vector<512x128xf32>
    %add3A_256 = arith.addf %sub3A_252, %add3A_255 : vector<512x128xf32>
    %rsqrt3A_257 = math.rsqrt %add3A_256 : vector<512x128xf32>
    %mul3A_258 = arith.mulf %sub3A_253, %rsqrt3A_257 : vector<512x128xf32>
    %mul3A_259 = vector.broadcast %get3A_13 : vector<1x128xf32> to vector<512x128xf32>
    %mul3A_260 = arith.mulf %mul3A_258, %mul3A_259 : vector<512x128xf32>
    %add3A_261 = vector.broadcast %get3A_16 : vector<1x128xf32> to vector<512x128xf32>
    %add3A_262 = arith.addf %mul3A_260, %add3A_261 : vector<512x128xf32>
    %swap3A_263 = arith.constant 3072 : index
    %swap3A_264 = arith.constant 0 : index
    %swap3A_265 = vector.load %arg8[%swap3A_263, %swap3A_264] : memref<8192x128xf32, #tpu.memory_space<vmem>>, vector<512x128xf32>
    tpu.vector_store %arg8[%swap3A_263, %swap3A_264], %add3A_262 {strides = array<i32>} : memref<8192x128xf32, #tpu.memory_space<vmem>>, vector<512x128xf32>,
    %get3A_266 = arith.constant 0 : index
    %get3A_267 = arith.constant 0 : index
    %get3A_268 = arith.constant 7 : index
    %get3A_269 = vector.load %arg3[%get3A_266, %get3A_267, %get3A_268] : memref<1x512x16xf32, #tpu.memory_space<vmem>>, vector<1x512x1xf32>
    %get3A_270 = vector.shape_cast %get3A_269 : vector<1x512x1xf32> to vector<512xf32>
    %broadcast_in_dim3A_271 = vector.shape_cast %get3A_270 : vector<512xf32> to vector<512x1xf32>
    %get3A_272 = arith.constant 3584 : index
    %get3A_273 = arith.constant 0 : index
    %get3A_274 = vector.load %arg2[%get3A_272, %get3A_273] : memref<8192x128xf32, #tpu.memory_space<vmem>>, vector<512x128xf32>
    %add3A_275 = arith.addf %get3A_274, %get3A_1 : vector<512x128xf32>
    %add3A_276 = vector.broadcast %broadcast_in_dim3A : vector<1x128xf32> to vector<512x128xf32>
    %add3A_277 = arith.addf %add3A_275, %add3A_276 : vector<512x128xf32>
    %mul3A_278 = vector.broadcast %broadcast_in_dim3A_271 : vector<512x1xf32> to vector<512x128xf32>
    %mul3A_279 = vector.broadcast %sub3A : vector<1x128xf32> to vector<512x128xf32>
    %mul3A_280 = arith.mulf %mul3A_278, %mul3A_279 : vector<512x128xf32>
    %add3A_281 = arith.addf %add3A_277, %mul3A_280 : vector<512x128xf32>
    %dot_general3A_282 = arith.constant dense<0.000000e+00> : vector<512x128xf32>
    %dot_general3A_283 = tpu.matmul %add3A_281, %broadcast_in_dim3A_18, %dot_general3A_282 {dimension_numbers = #tpu.dot_dimension_numbers<[1], [0], [0], [1], [0, 0, 1, 1], [], []>, transpose_lhs_hint = false} : vector<512x128xf32>, vector<128x128xf32>, vector<512x128xf32> -> vector<512x128xf32>
    %mul3A_284 = arith.mulf %add3A_281, %add3A_281 : vector<512x128xf32>
    %dot_general3A_285 = arith.constant dense<0.000000e+00> : vector<512x128xf32>
    %dot_general3A_286 = tpu.matmul %mul3A_284, %broadcast_in_dim3A_18, %dot_general3A_285 {dimension_numbers = #tpu.dot_dimension_numbers<[1], [0], [0], [1], [0, 0, 1, 1], [], []>, transpose_lhs_hint = false} : vector<512x128xf32>, vector<128x128xf32>, vector<512x128xf32> -> vector<512x128xf32>
    %mul3A_287 = arith.mulf %dot_general3A_283, %dot_general3A_283 : vector<512x128xf32>
    %sub3A_288 = arith.subf %dot_general3A_286, %mul3A_287 : vector<512x128xf32>
    %sub3A_289 = arith.subf %add3A_281, %dot_general3A_283 : vector<512x128xf32>
    %add3A_290 = arith.constant 9.99999996E-13 : f32
    %add3A_291 = vector.broadcast %add3A_290 : f32 to vector<512x128xf32>
    %add3A_292 = arith.addf %sub3A_288, %add3A_291 : vector<512x128xf32>
    %rsqrt3A_293 = math.rsqrt %add3A_292 : vector<512x128xf32>
    %mul3A_294 = arith.mulf %sub3A_289, %rsqrt3A_293 : vector<512x128xf32>
    %mul3A_295 = vector.broadcast %get3A_13 : vector<1x128xf32> to vector<512x128xf32>
    %mul3A_296 = arith.mulf %mul3A_294, %mul3A_295 : vector<512x128xf32>
    %add3A_297 = vector.broadcast %get3A_16 : vector<1x128xf32> to vector<512x128xf32>
    %add3A_298 = arith.addf %mul3A_296, %add3A_297 : vector<512x128xf32>
    %swap3A_299 = arith.constant 3584 : index
    %swap3A_300 = arith.constant 0 : index
    %swap3A_301 = vector.load %arg8[%swap3A_299, %swap3A_300] : memref<8192x128xf32, #tpu.memory_space<vmem>>, vector<512x128xf32>
    tpu.vector_store %arg8[%swap3A_299, %swap3A_300], %add3A_298 {strides = array<i32>} : memref<8192x128xf32, #tpu.memory_space<vmem>>, vector<512x128xf32>,
    %get3A_302 = arith.constant 0 : index
    %get3A_303 = arith.constant 0 : index
    %get3A_304 = arith.constant 8 : index
    %get3A_305 = vector.load %arg3[%get3A_302, %get3A_303, %get3A_304] : memref<1x512x16xf32, #tpu.memory_space<vmem>>, vector<1x512x1xf32>
    %get3A_306 = vector.shape_cast %get3A_305 : vector<1x512x1xf32> to vector<512xf32>
    %broadcast_in_dim3A_307 = vector.shape_cast %get3A_306 : vector<512xf32> to vector<512x1xf32>
    %get3A_308 = arith.constant 4096 : index
    %get3A_309 = arith.constant 0 : index
    %get3A_310 = vector.load %arg2[%get3A_308, %get3A_309] : memref<8192x128xf32, #tpu.memory_space<vmem>>, vector<512x128xf32>
    %add3A_311 = arith.addf %get3A_310, %get3A_1 : vector<512x128xf32>
    %add3A_312 = vector.broadcast %broadcast_in_dim3A : vector<1x128xf32> to vector<512x128xf32>
    %add3A_313 = arith.addf %add3A_311, %add3A_312 : vector<512x128xf32>
    %mul3A_314 = vector.broadcast %broadcast_in_dim3A_307 : vector<512x1xf32> to vector<512x128xf32>
    %mul3A_315 = vector.broadcast %sub3A : vector<1x128xf32> to vector<512x128xf32>
    %mul3A_316 = arith.mulf %mul3A_314, %mul3A_315 : vector<512x128xf32>
    %add3A_317 = arith.addf %add3A_313, %mul3A_316 : vector<512x128xf32>
    %dot_general3A_318 = arith.constant dense<0.000000e+00> : vector<512x128xf32>
    %dot_general3A_319 = tpu.matmul %add3A_317, %broadcast_in_dim3A_18, %dot_general3A_318 {dimension_numbers = #tpu.dot_dimension_numbers<[1], [0], [0], [1], [0, 0, 1, 1], [], []>, transpose_lhs_hint = false} : vector<512x128xf32>, vector<128x128xf32>, vector<512x128xf32> -> vector<512x128xf32>
    %mul3A_320 = arith.mulf %add3A_317, %add3A_317 : vector<512x128xf32>
    %dot_general3A_321 = arith.constant dense<0.000000e+00> : vector<512x128xf32>
    %dot_general3A_322 = tpu.matmul %mul3A_320, %broadcast_in_dim3A_18, %dot_general3A_321 {dimension_numbers = #tpu.dot_dimension_numbers<[1], [0], [0], [1], [0, 0, 1, 1], [], []>, transpose_lhs_hint = false} : vector<512x128xf32>, vector<128x128xf32>, vector<512x128xf32> -> vector<512x128xf32>
    %mul3A_323 = arith.mulf %dot_general3A_319, %dot_general3A_319 : vector<512x128xf32>
    %sub3A_324 = arith.subf %dot_general3A_322, %mul3A_323 : vector<512x128xf32>
    %sub3A_325 = arith.subf %add3A_317, %dot_general3A_319 : vector<512x128xf32>
    %add3A_326 = arith.constant 9.99999996E-13 : f32
    %add3A_327 = vector.broadcast %add3A_326 : f32 to vector<512x128xf32>
    %add3A_328 = arith.addf %sub3A_324, %add3A_327 : vector<512x128xf32>
    %rsqrt3A_329 = math.rsqrt %add3A_328 : vector<512x128xf32>
    %mul3A_330 = arith.mulf %sub3A_325, %rsqrt3A_329 : vector<512x128xf32>
    %mul3A_331 = vector.broadcast %get3A_13 : vector<1x128xf32> to vector<512x128xf32>
    %mul3A_332 = arith.mulf %mul3A_330, %mul3A_331 : vector<512x128xf32>
    %add3A_333 = vector.broadcast %get3A_16 : vector<1x128xf32> to vector<512x128xf32>
    %add3A_334 = arith.addf %mul3A_332, %add3A_333 : vector<512x128xf32>
    %swap3A_335 = arith.constant 4096 : index
    %swap3A_336 = arith.constant 0 : index
    %swap3A_337 = vector.load %arg8[%swap3A_335, %swap3A_336] : memref<8192x128xf32, #tpu.memory_space<vmem>>, vector<512x128xf32>
    tpu.vector_store %arg8[%swap3A_335, %swap3A_336], %add3A_334 {strides = array<i32>} : memref<8192x128xf32, #tpu.memory_space<vmem>>, vector<512x128xf32>,
    %get3A_338 = arith.constant 0 : index
    %get3A_339 = arith.constant 0 : index
    %get3A_340 = arith.constant 9 : index
    %get3A_341 = vector.load %arg3[%get3A_338, %get3A_339, %get3A_340] : memref<1x512x16xf32, #tpu.memory_space<vmem>>, vector<1x512x1xf32>
    %get3A_342 = vector.shape_cast %get3A_341 : vector<1x512x1xf32> to vector<512xf32>
    %broadcast_in_dim3A_343 = vector.shape_cast %get3A_342 : vector<512xf32> to vector<512x1xf32>
    %get3A_344 = arith.constant 4608 : index
    %get3A_345 = arith.constant 0 : index
    %get3A_346 = vector.load %arg2[%get3A_344, %get3A_345] : memref<8192x128xf32, #tpu.memory_space<vmem>>, vector<512x128xf32>
    %add3A_347 = arith.addf %get3A_346, %get3A_1 : vector<512x128xf32>
    %add3A_348 = vector.broadcast %broadcast_in_dim3A : vector<1x128xf32> to vector<512x128xf32>
    %add3A_349 = arith.addf %add3A_347, %add3A_348 : vector<512x128xf32>
    %mul3A_350 = vector.broadcast %broadcast_in_dim3A_343 : vector<512x1xf32> to vector<512x128xf32>
    %mul3A_351 = vector.broadcast %sub3A : vector<1x128xf32> to vector<512x128xf32>
    %mul3A_352 = arith.mulf %mul3A_350, %mul3A_351 : vector<512x128xf32>
    %add3A_353 = arith.addf %add3A_349, %mul3A_352 : vector<512x128xf32>
    %dot_general3A_354 = arith.constant dense<0.000000e+00> : vector<512x128xf32>
    %dot_general3A_355 = tpu.matmul %add3A_353, %broadcast_in_dim3A_18, %dot_general3A_354 {dimension_numbers = #tpu.dot_dimension_numbers<[1], [0], [0], [1], [0, 0, 1, 1], [], []>, transpose_lhs_hint = false} : vector<512x128xf32>, vector<128x128xf32>, vector<512x128xf32> -> vector<512x128xf32>
    %mul3A_356 = arith.mulf %add3A_353, %add3A_353 : vector<512x128xf32>
    %dot_general3A_357 = arith.constant dense<0.000000e+00> : vector<512x128xf32>
    %dot_general3A_358 = tpu.matmul %mul3A_356, %broadcast_in_dim3A_18, %dot_general3A_357 {dimension_numbers = #tpu.dot_dimension_numbers<[1], [0], [0], [1], [0, 0, 1, 1], [], []>, transpose_lhs_hint = false} : vector<512x128xf32>, vector<128x128xf32>, vector<512x128xf32> -> vector<512x128xf32>
    %mul3A_359 = arith.mulf %dot_general3A_355, %dot_general3A_355 : vector<512x128xf32>
    %sub3A_360 = arith.subf %dot_general3A_358, %mul3A_359 : vector<512x128xf32>
    %sub3A_361 = arith.subf %add3A_353, %dot_general3A_355 : vector<512x128xf32>
    %add3A_362 = arith.constant 9.99999996E-13 : f32
    %add3A_363 = vector.broadcast %add3A_362 : f32 to vector<512x128xf32>
    %add3A_364 = arith.addf %sub3A_360, %add3A_363 : vector<512x128xf32>
    %rsqrt3A_365 = math.rsqrt %add3A_364 : vector<512x128xf32>
    %mul3A_366 = arith.mulf %sub3A_361, %rsqrt3A_365 : vector<512x128xf32>
    %mul3A_367 = vector.broadcast %get3A_13 : vector<1x128xf32> to vector<512x128xf32>
    %mul3A_368 = arith.mulf %mul3A_366, %mul3A_367 : vector<512x128xf32>
    %add3A_369 = vector.broadcast %get3A_16 : vector<1x128xf32> to vector<512x128xf32>
    %add3A_370 = arith.addf %mul3A_368, %add3A_369 : vector<512x128xf32>
    %swap3A_371 = arith.constant 4608 : index
    %swap3A_372 = arith.constant 0 : index
    %swap3A_373 = vector.load %arg8[%swap3A_371, %swap3A_372] : memref<8192x128xf32, #tpu.memory_space<vmem>>, vector<512x128xf32>
    tpu.vector_store %arg8[%swap3A_371, %swap3A_372], %add3A_370 {strides = array<i32>} : memref<8192x128xf32, #tpu.memory_space<vmem>>, vector<512x128xf32>,
    %get3A_374 = arith.constant 0 : index
    %get3A_375 = arith.constant 0 : index
    %get3A_376 = arith.constant 10 : index
    %get3A_377 = vector.load %arg3[%get3A_374, %get3A_375, %get3A_376] : memref<1x512x16xf32, #tpu.memory_space<vmem>>, vector<1x512x1xf32>
    %get3A_378 = vector.shape_cast %get3A_377 : vector<1x512x1xf32> to vector<512xf32>
    %broadcast_in_dim3A_379 = vector.shape_cast %get3A_378 : vector<512xf32> to vector<512x1xf32>
    %get3A_380 = arith.constant 5120 : index
    %get3A_381 = arith.constant 0 : index
    %get3A_382 = vector.load %arg2[%get3A_380, %get3A_381] : memref<8192x128xf32, #tpu.memory_space<vmem>>, vector<512x128xf32>
    %add3A_383 = arith.addf %get3A_382, %get3A_1 : vector<512x128xf32>
    %add3A_384 = vector.broadcast %broadcast_in_dim3A : vector<1x128xf32> to vector<512x128xf32>
    %add3A_385 = arith.addf %add3A_383, %add3A_384 : vector<512x128xf32>
    %mul3A_386 = vector.broadcast %broadcast_in_dim3A_379 : vector<512x1xf32> to vector<512x128xf32>
    %mul3A_387 = vector.broadcast %sub3A : vector<1x128xf32> to vector<512x128xf32>
    %mul3A_388 = arith.mulf %mul3A_386, %mul3A_387 : vector<512x128xf32>
    %add3A_389 = arith.addf %add3A_385, %mul3A_388 : vector<512x128xf32>
    %dot_general3A_390 = arith.constant dense<0.000000e+00> : vector<512x128xf32>
    %dot_general3A_391 = tpu.matmul %add3A_389, %broadcast_in_dim3A_18, %dot_general3A_390 {dimension_numbers = #tpu.dot_dimension_numbers<[1], [0], [0], [1], [0, 0, 1, 1], [], []>, transpose_lhs_hint = false} : vector<512x128xf32>, vector<128x128xf32>, vector<512x128xf32> -> vector<512x128xf32>
    %mul3A_392 = arith.mulf %add3A_389, %add3A_389 : vector<512x128xf32>
    %dot_general3A_393 = arith.constant dense<0.000000e+00> : vector<512x128xf32>
    %dot_general3A_394 = tpu.matmul %mul3A_392, %broadcast_in_dim3A_18, %dot_general3A_393 {dimension_numbers = #tpu.dot_dimension_numbers<[1], [0], [0], [1], [0, 0, 1, 1], [], []>, transpose_lhs_hint = false} : vector<512x128xf32>, vector<128x128xf32>, vector<512x128xf32> -> vector<512x128xf32>
    %mul3A_395 = arith.mulf %dot_general3A_391, %dot_general3A_391 : vector<512x128xf32>
    %sub3A_396 = arith.subf %dot_general3A_394, %mul3A_395 : vector<512x128xf32>
    %sub3A_397 = arith.subf %add3A_389, %dot_general3A_391 : vector<512x128xf32>
    %add3A_398 = arith.constant 9.99999996E-13 : f32
    %add3A_399 = vector.broadcast %add3A_398 : f32 to vector<512x128xf32>
    %add3A_400 = arith.addf %sub3A_396, %add3A_399 : vector<512x128xf32>
    %rsqrt3A_401 = math.rsqrt %add3A_400 : vector<512x128xf32>
    %mul3A_402 = arith.mulf %sub3A_397, %rsqrt3A_401 : vector<512x128xf32>
    %mul3A_403 = vector.broadcast %get3A_13 : vector<1x128xf32> to vector<512x128xf32>
    %mul3A_404 = arith.mulf %mul3A_402, %mul3A_403 : vector<512x128xf32>
    %add3A_405 = vector.broadcast %get3A_16 : vector<1x128xf32> to vector<512x128xf32>
    %add3A_406 = arith.addf %mul3A_404, %add3A_405 : vector<512x128xf32>
    %swap3A_407 = arith.constant 5120 : index
    %swap3A_408 = arith.constant 0 : index
    %swap3A_409 = vector.load %arg8[%swap3A_407, %swap3A_408] : memref<8192x128xf32, #tpu.memory_space<vmem>>, vector<512x128xf32>
    tpu.vector_store %arg8[%swap3A_407, %swap3A_408], %add3A_406 {strides = array<i32>} : memref<8192x128xf32, #tpu.memory_space<vmem>>, vector<512x128xf32>,
    %get3A_410 = arith.constant 0 : index
    %get3A_411 = arith.constant 0 : index
    %get3A_412 = arith.constant 11 : index
    %get3A_413 = vector.load %arg3[%get3A_410, %get3A_411, %get3A_412] : memref<1x512x16xf32, #tpu.memory_space<vmem>>, vector<1x512x1xf32>
    %get3A_414 = vector.shape_cast %get3A_413 : vector<1x512x1xf32> to vector<512xf32>
    %broadcast_in_dim3A_415 = vector.shape_cast %get3A_414 : vector<512xf32> to vector<512x1xf32>
    %get3A_416 = arith.constant 5632 : index
    %get3A_417 = arith.constant 0 : index
    %get3A_418 = vector.load %arg2[%get3A_416, %get3A_417] : memref<8192x128xf32, #tpu.memory_space<vmem>>, vector<512x128xf32>
    %add3A_419 = arith.addf %get3A_418, %get3A_1 : vector<512x128xf32>
    %add3A_420 = vector.broadcast %broadcast_in_dim3A : vector<1x128xf32> to vector<512x128xf32>
    %add3A_421 = arith.addf %add3A_419, %add3A_420 : vector<512x128xf32>
    %mul3A_422 = vector.broadcast %broadcast_in_dim3A_415 : vector<512x1xf32> to vector<512x128xf32>
    %mul3A_423 = vector.broadcast %sub3A : vector<1x128xf32> to vector<512x128xf32>
    %mul3A_424 = arith.mulf %mul3A_422, %mul3A_423 : vector<512x128xf32>
    %add3A_425 = arith.addf %add3A_421, %mul3A_424 : vector<512x128xf32>
    %dot_general3A_426 = arith.constant dense<0.000000e+00> : vector<512x128xf32>
    %dot_general3A_427 = tpu.matmul %add3A_425, %broadcast_in_dim3A_18, %dot_general3A_426 {dimension_numbers = #tpu.dot_dimension_numbers<[1], [0], [0], [1], [0, 0, 1, 1], [], []>, transpose_lhs_hint = false} : vector<512x128xf32>, vector<128x128xf32>, vector<512x128xf32> -> vector<512x128xf32>
    %mul3A_428 = arith.mulf %add3A_425, %add3A_425 : vector<512x128xf32>
    %dot_general3A_429 = arith.constant dense<0.000000e+00> : vector<512x128xf32>
    %dot_general3A_430 = tpu.matmul %mul3A_428, %broadcast_in_dim3A_18, %dot_general3A_429 {dimension_numbers = #tpu.dot_dimension_numbers<[1], [0], [0], [1], [0, 0, 1, 1], [], []>, transpose_lhs_hint = false} : vector<512x128xf32>, vector<128x128xf32>, vector<512x128xf32> -> vector<512x128xf32>
    %mul3A_431 = arith.mulf %dot_general3A_427, %dot_general3A_427 : vector<512x128xf32>
    %sub3A_432 = arith.subf %dot_general3A_430, %mul3A_431 : vector<512x128xf32>
    %sub3A_433 = arith.subf %add3A_425, %dot_general3A_427 : vector<512x128xf32>
    %add3A_434 = arith.constant 9.99999996E-13 : f32
    %add3A_435 = vector.broadcast %add3A_434 : f32 to vector<512x128xf32>
    %add3A_436 = arith.addf %sub3A_432, %add3A_435 : vector<512x128xf32>
    %rsqrt3A_437 = math.rsqrt %add3A_436 : vector<512x128xf32>
    %mul3A_438 = arith.mulf %sub3A_433, %rsqrt3A_437 : vector<512x128xf32>
    %mul3A_439 = vector.broadcast %get3A_13 : vector<1x128xf32> to vector<512x128xf32>
    %mul3A_440 = arith.mulf %mul3A_438, %mul3A_439 : vector<512x128xf32>
    %add3A_441 = vector.broadcast %get3A_16 : vector<1x128xf32> to vector<512x128xf32>
    %add3A_442 = arith.addf %mul3A_440, %add3A_441 : vector<512x128xf32>
    %swap3A_443 = arith.constant 5632 : index
    %swap3A_444 = arith.constant 0 : index
    %swap3A_445 = vector.load %arg8[%swap3A_443, %swap3A_444] : memref<8192x128xf32, #tpu.memory_space<vmem>>, vector<512x128xf32>
    tpu.vector_store %arg8[%swap3A_443, %swap3A_444], %add3A_442 {strides = array<i32>} : memref<8192x128xf32, #tpu.memory_space<vmem>>, vector<512x128xf32>,
    %get3A_446 = arith.constant 0 : index
    %get3A_447 = arith.constant 0 : index
    %get3A_448 = arith.constant 12 : index
    %get3A_449 = vector.load %arg3[%get3A_446, %get3A_447, %get3A_448] : memref<1x512x16xf32, #tpu.memory_space<vmem>>, vector<1x512x1xf32>
    %get3A_450 = vector.shape_cast %get3A_449 : vector<1x512x1xf32> to vector<512xf32>
    %broadcast_in_dim3A_451 = vector.shape_cast %get3A_450 : vector<512xf32> to vector<512x1xf32>
    %get3A_452 = arith.constant 6144 : index
    %get3A_453 = arith.constant 0 : index
    %get3A_454 = vector.load %arg2[%get3A_452, %get3A_453] : memref<8192x128xf32, #tpu.memory_space<vmem>>, vector<512x128xf32>
    %add3A_455 = arith.addf %get3A_454, %get3A_1 : vector<512x128xf32>
    %add3A_456 = vector.broadcast %broadcast_in_dim3A : vector<1x128xf32> to vector<512x128xf32>
    %add3A_457 = arith.addf %add3A_455, %add3A_456 : vector<512x128xf32>
    %mul3A_458 = vector.broadcast %broadcast_in_dim3A_451 : vector<512x1xf32> to vector<512x128xf32>
    %mul3A_459 = vector.broadcast %sub3A : vector<1x128xf32> to vector<512x128xf32>
    %mul3A_460 = arith.mulf %mul3A_458, %mul3A_459 : vector<512x128xf32>
    %add3A_461 = arith.addf %add3A_457, %mul3A_460 : vector<512x128xf32>
    %dot_general3A_462 = arith.constant dense<0.000000e+00> : vector<512x128xf32>
    %dot_general3A_463 = tpu.matmul %add3A_461, %broadcast_in_dim3A_18, %dot_general3A_462 {dimension_numbers = #tpu.dot_dimension_numbers<[1], [0], [0], [1], [0, 0, 1, 1], [], []>, transpose_lhs_hint = false} : vector<512x128xf32>, vector<128x128xf32>, vector<512x128xf32> -> vector<512x128xf32>
    %mul3A_464 = arith.mulf %add3A_461, %add3A_461 : vector<512x128xf32>
    %dot_general3A_465 = arith.constant dense<0.000000e+00> : vector<512x128xf32>
    %dot_general3A_466 = tpu.matmul %mul3A_464, %broadcast_in_dim3A_18, %dot_general3A_465 {dimension_numbers = #tpu.dot_dimension_numbers<[1], [0], [0], [1], [0, 0, 1, 1], [], []>, transpose_lhs_hint = false} : vector<512x128xf32>, vector<128x128xf32>, vector<512x128xf32> -> vector<512x128xf32>
    %mul3A_467 = arith.mulf %dot_general3A_463, %dot_general3A_463 : vector<512x128xf32>
    %sub3A_468 = arith.subf %dot_general3A_466, %mul3A_467 : vector<512x128xf32>
    %sub3A_469 = arith.subf %add3A_461, %dot_general3A_463 : vector<512x128xf32>
    %add3A_470 = arith.constant 9.99999996E-13 : f32
    %add3A_471 = vector.broadcast %add3A_470 : f32 to vector<512x128xf32>
    %add3A_472 = arith.addf %sub3A_468, %add3A_471 : vector<512x128xf32>
    %rsqrt3A_473 = math.rsqrt %add3A_472 : vector<512x128xf32>
    %mul3A_474 = arith.mulf %sub3A_469, %rsqrt3A_473 : vector<512x128xf32>
    %mul3A_475 = vector.broadcast %get3A_13 : vector<1x128xf32> to vector<512x128xf32>
    %mul3A_476 = arith.mulf %mul3A_474, %mul3A_475 : vector<512x128xf32>
    %add3A_477 = vector.broadcast %get3A_16 : vector<1x128xf32> to vector<512x128xf32>
    %add3A_478 = arith.addf %mul3A_476, %add3A_477 : vector<512x128xf32>
    %swap3A_479 = arith.constant 6144 : index
    %swap3A_480 = arith.constant 0 : index
    %swap3A_481 = vector.load %arg8[%swap3A_479, %swap3A_480] : memref<8192x128xf32, #tpu.memory_space<vmem>>, vector<512x128xf32>
    tpu.vector_store %arg8[%swap3A_479, %swap3A_480], %add3A_478 {strides = array<i32>} : memref<8192x128xf32, #tpu.memory_space<vmem>>, vector<512x128xf32>,
    %get3A_482 = arith.constant 0 : index
    %get3A_483 = arith.constant 0 : index
    %get3A_484 = arith.constant 13 : index
    %get3A_485 = vector.load %arg3[%get3A_482, %get3A_483, %get3A_484] : memref<1x512x16xf32, #tpu.memory_space<vmem>>, vector<1x512x1xf32>
    %get3A_486 = vector.shape_cast %get3A_485 : vector<1x512x1xf32> to vector<512xf32>
    %broadcast_in_dim3A_487 = vector.shape_cast %get3A_486 : vector<512xf32> to vector<512x1xf32>
    %get3A_488 = arith.constant 6656 : index
    %get3A_489 = arith.constant 0 : index
    %get3A_490 = vector.load %arg2[%get3A_488, %get3A_489] : memref<8192x128xf32, #tpu.memory_space<vmem>>, vector<512x128xf32>
    %add3A_491 = arith.addf %get3A_490, %get3A_1 : vector<512x128xf32>
    %add3A_492 = vector.broadcast %broadcast_in_dim3A : vector<1x128xf32> to vector<512x128xf32>
    %add3A_493 = arith.addf %add3A_491, %add3A_492 : vector<512x128xf32>
    %mul3A_494 = vector.broadcast %broadcast_in_dim3A_487 : vector<512x1xf32> to vector<512x128xf32>
    %mul3A_495 = vector.broadcast %sub3A : vector<1x128xf32> to vector<512x128xf32>
    %mul3A_496 = arith.mulf %mul3A_494, %mul3A_495 : vector<512x128xf32>
    %add3A_497 = arith.addf %add3A_493, %mul3A_496 : vector<512x128xf32>
    %dot_general3A_498 = arith.constant dense<0.000000e+00> : vector<512x128xf32>
    %dot_general3A_499 = tpu.matmul %add3A_497, %broadcast_in_dim3A_18, %dot_general3A_498 {dimension_numbers = #tpu.dot_dimension_numbers<[1], [0], [0], [1], [0, 0, 1, 1], [], []>, transpose_lhs_hint = false} : vector<512x128xf32>, vector<128x128xf32>, vector<512x128xf32> -> vector<512x128xf32>
    %mul3A_500 = arith.mulf %add3A_497, %add3A_497 : vector<512x128xf32>
    %dot_general3A_501 = arith.constant dense<0.000000e+00> : vector<512x128xf32>
    %dot_general3A_502 = tpu.matmul %mul3A_500, %broadcast_in_dim3A_18, %dot_general3A_501 {dimension_numbers = #tpu.dot_dimension_numbers<[1], [0], [0], [1], [0, 0, 1, 1], [], []>, transpose_lhs_hint = false} : vector<512x128xf32>, vector<128x128xf32>, vector<512x128xf32> -> vector<512x128xf32>
    %mul3A_503 = arith.mulf %dot_general3A_499, %dot_general3A_499 : vector<512x128xf32>
    %sub3A_504 = arith.subf %dot_general3A_502, %mul3A_503 : vector<512x128xf32>
    %sub3A_505 = arith.subf %add3A_497, %dot_general3A_499 : vector<512x128xf32>
    %add3A_506 = arith.constant 9.99999996E-13 : f32
    %add3A_507 = vector.broadcast %add3A_506 : f32 to vector<512x128xf32>
    %add3A_508 = arith.addf %sub3A_504, %add3A_507 : vector<512x128xf32>
    %rsqrt3A_509 = math.rsqrt %add3A_508 : vector<512x128xf32>
    %mul3A_510 = arith.mulf %sub3A_505, %rsqrt3A_509 : vector<512x128xf32>
    %mul3A_511 = vector.broadcast %get3A_13 : vector<1x128xf32> to vector<512x128xf32>
    %mul3A_512 = arith.mulf %mul3A_510, %mul3A_511 : vector<512x128xf32>
    %add3A_513 = vector.broadcast %get3A_16 : vector<1x128xf32> to vector<512x128xf32>
    %add3A_514 = arith.addf %mul3A_512, %add3A_513 : vector<512x128xf32>
    %swap3A_515 = arith.constant 6656 : index
    %swap3A_516 = arith.constant 0 : index
    %swap3A_517 = vector.load %arg8[%swap3A_515, %swap3A_516] : memref<8192x128xf32, #tpu.memory_space<vmem>>, vector<512x128xf32>
    tpu.vector_store %arg8[%swap3A_515, %swap3A_516], %add3A_514 {strides = array<i32>} : memref<8192x128xf32, #tpu.memory_space<vmem>>, vector<512x128xf32>,
    %get3A_518 = arith.constant 0 : index
    %get3A_519 = arith.constant 0 : index
    %get3A_520 = arith.constant 14 : index
    %get3A_521 = vector.load %arg3[%get3A_518, %get3A_519, %get3A_520] : memref<1x512x16xf32, #tpu.memory_space<vmem>>, vector<1x512x1xf32>
    %get3A_522 = vector.shape_cast %get3A_521 : vector<1x512x1xf32> to vector<512xf32>
    %broadcast_in_dim3A_523 = vector.shape_cast %get3A_522 : vector<512xf32> to vector<512x1xf32>
    %get3A_524 = arith.constant 7168 : index
    %get3A_525 = arith.constant 0 : index
    %get3A_526 = vector.load %arg2[%get3A_524, %get3A_525] : memref<8192x128xf32, #tpu.memory_space<vmem>>, vector<512x128xf32>
    %add3A_527 = arith.addf %get3A_526, %get3A_1 : vector<512x128xf32>
    %add3A_528 = vector.broadcast %broadcast_in_dim3A : vector<1x128xf32> to vector<512x128xf32>
    %add3A_529 = arith.addf %add3A_527, %add3A_528 : vector<512x128xf32>
    %mul3A_530 = vector.broadcast %broadcast_in_dim3A_523 : vector<512x1xf32> to vector<512x128xf32>
    %mul3A_531 = vector.broadcast %sub3A : vector<1x128xf32> to vector<512x128xf32>
    %mul3A_532 = arith.mulf %mul3A_530, %mul3A_531 : vector<512x128xf32>
    %add3A_533 = arith.addf %add3A_529, %mul3A_532 : vector<512x128xf32>
    %dot_general3A_534 = arith.constant dense<0.000000e+00> : vector<512x128xf32>
    %dot_general3A_535 = tpu.matmul %add3A_533, %broadcast_in_dim3A_18, %dot_general3A_534 {dimension_numbers = #tpu.dot_dimension_numbers<[1], [0], [0], [1], [0, 0, 1, 1], [], []>, transpose_lhs_hint = false} : vector<512x128xf32>, vector<128x128xf32>, vector<512x128xf32> -> vector<512x128xf32>
    %mul3A_536 = arith.mulf %add3A_533, %add3A_533 : vector<512x128xf32>
    %dot_general3A_537 = arith.constant dense<0.000000e+00> : vector<512x128xf32>
    %dot_general3A_538 = tpu.matmul %mul3A_536, %broadcast_in_dim3A_18, %dot_general3A_537 {dimension_numbers = #tpu.dot_dimension_numbers<[1], [0], [0], [1], [0, 0, 1, 1], [], []>, transpose_lhs_hint = false} : vector<512x128xf32>, vector<128x128xf32>, vector<512x128xf32> -> vector<512x128xf32>
    %mul3A_539 = arith.mulf %dot_general3A_535, %dot_general3A_535 : vector<512x128xf32>
    %sub3A_540 = arith.subf %dot_general3A_538, %mul3A_539 : vector<512x128xf32>
    %sub3A_541 = arith.subf %add3A_533, %dot_general3A_535 : vector<512x128xf32>
    %add3A_542 = arith.constant 9.99999996E-13 : f32
    %add3A_543 = vector.broadcast %add3A_542 : f32 to vector<512x128xf32>
    %add3A_544 = arith.addf %sub3A_540, %add3A_543 : vector<512x128xf32>
    %rsqrt3A_545 = math.rsqrt %add3A_544 : vector<512x128xf32>
    %mul3A_546 = arith.mulf %sub3A_541, %rsqrt3A_545 : vector<512x128xf32>
    %mul3A_547 = vector.broadcast %get3A_13 : vector<1x128xf32> to vector<512x128xf32>
    %mul3A_548 = arith.mulf %mul3A_546, %mul3A_547 : vector<512x128xf32>
    %add3A_549 = vector.broadcast %get3A_16 : vector<1x128xf32> to vector<512x128xf32>
    %add3A_550 = arith.addf %mul3A_548, %add3A_549 : vector<512x128xf32>
    %swap3A_551 = arith.constant 7168 : index
    %swap3A_552 = arith.constant 0 : index
    %swap3A_553 = vector.load %arg8[%swap3A_551, %swap3A_552] : memref<8192x128xf32, #tpu.memory_space<vmem>>, vector<512x128xf32>
    tpu.vector_store %arg8[%swap3A_551, %swap3A_552], %add3A_550 {strides = array<i32>} : memref<8192x128xf32, #tpu.memory_space<vmem>>, vector<512x128xf32>,
    %get3A_554 = arith.constant 0 : index
    %get3A_555 = arith.constant 0 : index
    %get3A_556 = arith.constant 15 : index
    %get3A_557 = vector.load %arg3[%get3A_554, %get3A_555, %get3A_556] : memref<1x512x16xf32, #tpu.memory_space<vmem>>, vector<1x512x1xf32>
    %get3A_558 = vector.shape_cast %get3A_557 : vector<1x512x1xf32> to vector<512xf32>
    %broadcast_in_dim3A_559 = vector.shape_cast %get3A_558 : vector<512xf32> to vector<512x1xf32>
    %get3A_560 = arith.constant 7680 : index
    %get3A_561 = arith.constant 0 : index
    %get3A_562 = vector.load %arg2[%get3A_560, %get3A_561] : memref<8192x128xf32, #tpu.memory_space<vmem>>, vector<512x128xf32>
    %add3A_563 = arith.addf %get3A_562, %get3A_1 : vector<512x128xf32>
    %add3A_564 = vector.broadcast %broadcast_in_dim3A : vector<1x128xf32> to vector<512x128xf32>
    %add3A_565 = arith.addf %add3A_563, %add3A_564 : vector<512x128xf32>
    %mul3A_566 = vector.broadcast %broadcast_in_dim3A_559 : vector<512x1xf32> to vector<512x128xf32>
    %mul3A_567 = vector.broadcast %sub3A : vector<1x128xf32> to vector<512x128xf32>
    %mul3A_568 = arith.mulf %mul3A_566, %mul3A_567 : vector<512x128xf32>
    %add3A_569 = arith.addf %add3A_565, %mul3A_568 : vector<512x128xf32>
    %dot_general3A_570 = arith.constant dense<0.000000e+00> : vector<512x128xf32>
    %dot_general3A_571 = tpu.matmul %add3A_569, %broadcast_in_dim3A_18, %dot_general3A_570 {dimension_numbers = #tpu.dot_dimension_numbers<[1], [0], [0], [1], [0, 0, 1, 1], [], []>, transpose_lhs_hint = false} : vector<512x128xf32>, vector<128x128xf32>, vector<512x128xf32> -> vector<512x128xf32>
    %mul3A_572 = arith.mulf %add3A_569, %add3A_569 : vector<512x128xf32>
    %dot_general3A_573 = arith.constant dense<0.000000e+00> : vector<512x128xf32>
    %dot_general3A_574 = tpu.matmul %mul3A_572, %broadcast_in_dim3A_18, %dot_general3A_573 {dimension_numbers = #tpu.dot_dimension_numbers<[1], [0], [0], [1], [0, 0, 1, 1], [], []>, transpose_lhs_hint = false} : vector<512x128xf32>, vector<128x128xf32>, vector<512x128xf32> -> vector<512x128xf32>
    %mul3A_575 = arith.mulf %dot_general3A_571, %dot_general3A_571 : vector<512x128xf32>
    %sub3A_576 = arith.subf %dot_general3A_574, %mul3A_575 : vector<512x128xf32>
    %sub3A_577 = arith.subf %add3A_569, %dot_general3A_571 : vector<512x128xf32>
    %add3A_578 = arith.constant 9.99999996E-13 : f32
    %add3A_579 = vector.broadcast %add3A_578 : f32 to vector<512x128xf32>
    %add3A_580 = arith.addf %sub3A_576, %add3A_579 : vector<512x128xf32>
    %rsqrt3A_581 = math.rsqrt %add3A_580 : vector<512x128xf32>
    %mul3A_582 = arith.mulf %sub3A_577, %rsqrt3A_581 : vector<512x128xf32>
    %mul3A_583 = vector.broadcast %get3A_13 : vector<1x128xf32> to vector<512x128xf32>
    %mul3A_584 = arith.mulf %mul3A_582, %mul3A_583 : vector<512x128xf32>
    %add3A_585 = vector.broadcast %get3A_16 : vector<1x128xf32> to vector<512x128xf32>
    %add3A_586 = arith.addf %mul3A_584, %add3A_585 : vector<512x128xf32>
    %swap3A_587 = arith.constant 7680 : index
    %swap3A_588 = arith.constant 0 : index
    %swap3A_589 = vector.load %arg8[%swap3A_587, %swap3A_588] : memref<8192x128xf32, #tpu.memory_space<vmem>>, vector<512x128xf32>
    tpu.vector_store %arg8[%swap3A_587, %swap3A_588], %add3A_586 {strides = array<i32>} : memref<8192x128xf32, #tpu.memory_space<vmem>>, vector<512x128xf32>,
    return
  }
  func.func @transform_1(%arg0: i32) -> (i32, i32) {
    %c0_i32 = arith.constant 0 : i32
    %c0_i32_0 = arith.constant 0 : i32
    return %arg0, %c0_i32 : i32, i32
  }
  func.func @transform_2(%arg0: i32) -> (i32, i32, i32) {
    %c0_i32 = arith.constant 0 : i32
    %c0_i32_0 = arith.constant 0 : i32
    %c0_i32_1 = arith.constant 0 : i32
    return %arg0, %c0_i32, %c0_i32_0 : i32, i32, i32
  }
  func.func @transform_3(%arg0: i32) -> (i32, i32) {
    %c0_i32 = arith.constant 0 : i32
    %c0_i32_0 = arith.constant 0 : i32
    %c0_i32_1 = arith.constant 0 : i32
    return %c0_i32, %c0_i32_0 : i32, i32
  }
  func.func @transform_4(%arg0: i32) -> (i32, i32) {
    %c0_i32 = arith.constant 0 : i32
    %c0_i32_0 = arith.constant 0 : i32
    %c0_i32_1 = arith.constant 0 : i32
    return %c0_i32, %c0_i32_0 : i32, i32
  }
  func.func @transform_5(%arg0: i32) -> (i32, i32) {
    %c0_i32 = arith.constant 0 : i32
    %c0_i32_0 = arith.constant 0 : i32
    %c0_i32_1 = arith.constant 0 : i32
    return %c0_i32, %c0_i32_0 : i32, i32
  }
  func.func @transform_6(%arg0: i32) -> (i32, i32) {
    %c0_i32 = arith.constant 0 : i32
    %c0_i32_0 = arith.constant 0 : i32
    %c0_i32_1 = arith.constant 0 : i32
    return %c0_i32, %c0_i32_0 : i32, i32
  }
  func.func @transform_7(%arg0: i32) -> (i32, i32) {
    %add3A = arith.constant 2 : i32
    %add3A_0 = arith.addi %arg0, %add3A : i32
    %c0_i32 = arith.constant 0 : i32
    %c0_i32_1 = arith.constant 0 : i32
    return %add3A_0, %c0_i32 : i32, i32
  }
}

module attributes {stable_mosaic.version = 14 : i64} {
  func.func @_ln_body0(%arg0: i32, %arg1: memref<8192x128xf32, #tpu.memory_space<vmem>>, %arg2: memref<1x512x16xf32, #tpu.memory_space<vmem>>, %arg3: memref<512x128xf32, #tpu.memory_space<vmem>>, %arg4: memref<2x128xf32, #tpu.memory_space<vmem>>, %arg5: memref<1x128xf32, #tpu.memory_space<vmem>>, %arg6: memref<1x128xf32, #tpu.memory_space<vmem>>, %arg7: memref<8192x128xf32, #tpu.memory_space<vmem>>) attributes {dimension_semantics = [#tpu.dimension_semantics<arbitrary>], iteration_bounds = array<i64: 2>, scalar_prefetch = 0 : i64, scratch_operands = 0 : i64, tpu.core_type = #tpu.core_type<tc>, window_params = [{transform_indices = @transform_0, window_bounds = array<i64: 8192, 128>}, {transform_indices = @transform_1, window_bounds = array<i64: 1, 512, 16>}, {pipeline_mode = #tpu.pipeline_mode<synchronous>, transform_indices = @transform_2, window_bounds = array<i64: 512, 128>}, {pipeline_mode = #tpu.pipeline_mode<synchronous>, transform_indices = @transform_3, window_bounds = array<i64: 2, 128>}, {pipeline_mode = #tpu.pipeline_mode<synchronous>, transform_indices = @transform_4, window_bounds = array<i64: 1, 128>}, {pipeline_mode = #tpu.pipeline_mode<synchronous>, transform_indices = @transform_5, window_bounds = array<i64: 1, 128>}, {transform_indices = @transform_6, window_bounds = array<i64: 8192, 128>}]} {
    %get3A = arith.constant 0 : index
    %get3A_0 = arith.constant 0 : index
    %get3A_1 = vector.load %arg3[%get3A, %get3A_0] : memref<512x128xf32, #tpu.memory_space<vmem>>, vector<512x128xf32>
    %get3A_2 = arith.constant 0 : index
    %get3A_3 = arith.constant 0 : index
    %get3A_4 = vector.load %arg4[%get3A_2, %get3A_3] : memref<2x128xf32, #tpu.memory_space<vmem>>, vector<1x128xf32>
    %get3A_5 = vector.shape_cast %get3A_4 : vector<1x128xf32> to vector<128xf32>
    %broadcast_in_dim3A = vector.shape_cast %get3A_5 : vector<128xf32> to vector<1x128xf32>
    %get3A_6 = arith.constant 1 : index
    %get3A_7 = arith.constant 0 : index
    %get3A_8 = vector.load %arg4[%get3A_6, %get3A_7] : memref<2x128xf32, #tpu.memory_space<vmem>>, vector<1x128xf32>
    %get3A_9 = vector.shape_cast %get3A_8 : vector<1x128xf32> to vector<128xf32>
    %broadcast_in_dim3A_10 = vector.shape_cast %get3A_9 : vector<128xf32> to vector<1x128xf32>
    %sub3A = arith.subf %broadcast_in_dim3A_10, %broadcast_in_dim3A : vector<1x128xf32>
    %get3A_11 = arith.constant 0 : index
    %get3A_12 = arith.constant 0 : index
    %get3A_13 = vector.load %arg5[%get3A_11, %get3A_12] : memref<1x128xf32, #tpu.memory_space<vmem>>, vector<1x128xf32>
    %get3A_14 = arith.constant 0 : index
    %get3A_15 = arith.constant 0 : index
    %get3A_16 = vector.load %arg6[%get3A_14, %get3A_15] : memref<1x128xf32, #tpu.memory_space<vmem>>, vector<1x128xf32>
    %broadcast_in_dim3A_17 = arith.constant 7.812500e-03 : f32
    %broadcast_in_dim3A_18 = vector.broadcast %broadcast_in_dim3A_17 : f32 to vector<128x128xf32>
    %get3A_19 = arith.constant 0 : index
    %get3A_20 = arith.constant 0 : index
    %get3A_21 = arith.constant 0 : index
    %get3A_22 = vector.load %arg2[%get3A_19, %get3A_20, %get3A_21] : memref<1x512x16xf32, #tpu.memory_space<vmem>>, vector<1x512x1xf32>
    %get3A_23 = vector.shape_cast %get3A_22 : vector<1x512x1xf32> to vector<512xf32>
    %broadcast_in_dim3A_24 = vector.shape_cast %get3A_23 : vector<512xf32> to vector<512x1xf32>
    %get3A_25 = arith.constant 0 : index
    %get3A_26 = arith.constant 0 : index
    %get3A_27 = vector.load %arg1[%get3A_25, %get3A_26] : memref<8192x128xf32, #tpu.memory_space<vmem>>, vector<512x128xf32>
    %add3A = arith.addf %get3A_27, %get3A_1 : vector<512x128xf32>
    %add3A_28 = vector.broadcast %broadcast_in_dim3A : vector<1x128xf32> to vector<512x128xf32>
    %add3A_29 = arith.addf %add3A, %add3A_28 : vector<512x128xf32>
    %mul3A = vector.broadcast %broadcast_in_dim3A_24 : vector<512x1xf32> to vector<512x128xf32>
    %mul3A_30 = vector.broadcast %sub3A : vector<1x128xf32> to vector<512x128xf32>
    %mul3A_31 = arith.mulf %mul3A, %mul3A_30 : vector<512x128xf32>
    %add3A_32 = arith.addf %add3A_29, %mul3A_31 : vector<512x128xf32>
    %dot_general3A = arith.constant dense<0.000000e+00> : vector<512x128xf32>
    %dot_general3A_33 = tpu.matmul %add3A_32, %broadcast_in_dim3A_18, %dot_general3A {dimension_numbers = #tpu.dot_dimension_numbers<[1], [0], [0], [1], [0, 0, 1, 1], [], []>, transpose_lhs_hint = false} : vector<512x128xf32>, vector<128x128xf32>, vector<512x128xf32> -> vector<512x128xf32>
    %mul3A_34 = arith.mulf %add3A_32, %add3A_32 : vector<512x128xf32>
    %dot_general3A_35 = arith.constant dense<0.000000e+00> : vector<512x128xf32>
    %dot_general3A_36 = tpu.matmul %mul3A_34, %broadcast_in_dim3A_18, %dot_general3A_35 {dimension_numbers = #tpu.dot_dimension_numbers<[1], [0], [0], [1], [0, 0, 1, 1], [], []>, transpose_lhs_hint = false} : vector<512x128xf32>, vector<128x128xf32>, vector<512x128xf32> -> vector<512x128xf32>
    %mul3A_37 = arith.mulf %dot_general3A_33, %dot_general3A_33 : vector<512x128xf32>
    %sub3A_38 = arith.subf %dot_general3A_36, %mul3A_37 : vector<512x128xf32>
    %sub3A_39 = arith.subf %add3A_32, %dot_general3A_33 : vector<512x128xf32>
    %add3A_40 = arith.constant 9.99999996E-13 : f32
    %add3A_41 = vector.broadcast %add3A_40 : f32 to vector<512x128xf32>
    %add3A_42 = arith.addf %sub3A_38, %add3A_41 : vector<512x128xf32>
    %rsqrt3A = math.rsqrt %add3A_42 : vector<512x128xf32>
    %mul3A_43 = arith.mulf %sub3A_39, %rsqrt3A : vector<512x128xf32>
    %mul3A_44 = vector.broadcast %get3A_13 : vector<1x128xf32> to vector<512x128xf32>
    %mul3A_45 = arith.mulf %mul3A_43, %mul3A_44 : vector<512x128xf32>
    %add3A_46 = vector.broadcast %get3A_16 : vector<1x128xf32> to vector<512x128xf32>
    %add3A_47 = arith.addf %mul3A_45, %add3A_46 : vector<512x128xf32>
    %swap3A = arith.constant 0 : index
    %swap3A_48 = arith.constant 0 : index
    %swap3A_49 = vector.load %arg7[%swap3A, %swap3A_48] : memref<8192x128xf32, #tpu.memory_space<vmem>>, vector<512x128xf32>
    tpu.vector_store %arg7[%swap3A, %swap3A_48], %add3A_47 {strides = array<i32>} : memref<8192x128xf32, #tpu.memory_space<vmem>>, vector<512x128xf32>,
    %get3A_50 = arith.constant 0 : index
    %get3A_51 = arith.constant 0 : index
    %get3A_52 = arith.constant 1 : index
    %get3A_53 = vector.load %arg2[%get3A_50, %get3A_51, %get3A_52] : memref<1x512x16xf32, #tpu.memory_space<vmem>>, vector<1x512x1xf32>
    %get3A_54 = vector.shape_cast %get3A_53 : vector<1x512x1xf32> to vector<512xf32>
    %broadcast_in_dim3A_55 = vector.shape_cast %get3A_54 : vector<512xf32> to vector<512x1xf32>
    %get3A_56 = arith.constant 512 : index
    %get3A_57 = arith.constant 0 : index
    %get3A_58 = vector.load %arg1[%get3A_56, %get3A_57] : memref<8192x128xf32, #tpu.memory_space<vmem>>, vector<512x128xf32>
    %add3A_59 = arith.addf %get3A_58, %get3A_1 : vector<512x128xf32>
    %add3A_60 = vector.broadcast %broadcast_in_dim3A : vector<1x128xf32> to vector<512x128xf32>
    %add3A_61 = arith.addf %add3A_59, %add3A_60 : vector<512x128xf32>
    %mul3A_62 = vector.broadcast %broadcast_in_dim3A_55 : vector<512x1xf32> to vector<512x128xf32>
    %mul3A_63 = vector.broadcast %sub3A : vector<1x128xf32> to vector<512x128xf32>
    %mul3A_64 = arith.mulf %mul3A_62, %mul3A_63 : vector<512x128xf32>
    %add3A_65 = arith.addf %add3A_61, %mul3A_64 : vector<512x128xf32>
    %dot_general3A_66 = arith.constant dense<0.000000e+00> : vector<512x128xf32>
    %dot_general3A_67 = tpu.matmul %add3A_65, %broadcast_in_dim3A_18, %dot_general3A_66 {dimension_numbers = #tpu.dot_dimension_numbers<[1], [0], [0], [1], [0, 0, 1, 1], [], []>, transpose_lhs_hint = false} : vector<512x128xf32>, vector<128x128xf32>, vector<512x128xf32> -> vector<512x128xf32>
    %mul3A_68 = arith.mulf %add3A_65, %add3A_65 : vector<512x128xf32>
    %dot_general3A_69 = arith.constant dense<0.000000e+00> : vector<512x128xf32>
    %dot_general3A_70 = tpu.matmul %mul3A_68, %broadcast_in_dim3A_18, %dot_general3A_69 {dimension_numbers = #tpu.dot_dimension_numbers<[1], [0], [0], [1], [0, 0, 1, 1], [], []>, transpose_lhs_hint = false} : vector<512x128xf32>, vector<128x128xf32>, vector<512x128xf32> -> vector<512x128xf32>
    %mul3A_71 = arith.mulf %dot_general3A_67, %dot_general3A_67 : vector<512x128xf32>
    %sub3A_72 = arith.subf %dot_general3A_70, %mul3A_71 : vector<512x128xf32>
    %sub3A_73 = arith.subf %add3A_65, %dot_general3A_67 : vector<512x128xf32>
    %add3A_74 = arith.constant 9.99999996E-13 : f32
    %add3A_75 = vector.broadcast %add3A_74 : f32 to vector<512x128xf32>
    %add3A_76 = arith.addf %sub3A_72, %add3A_75 : vector<512x128xf32>
    %rsqrt3A_77 = math.rsqrt %add3A_76 : vector<512x128xf32>
    %mul3A_78 = arith.mulf %sub3A_73, %rsqrt3A_77 : vector<512x128xf32>
    %mul3A_79 = vector.broadcast %get3A_13 : vector<1x128xf32> to vector<512x128xf32>
    %mul3A_80 = arith.mulf %mul3A_78, %mul3A_79 : vector<512x128xf32>
    %add3A_81 = vector.broadcast %get3A_16 : vector<1x128xf32> to vector<512x128xf32>
    %add3A_82 = arith.addf %mul3A_80, %add3A_81 : vector<512x128xf32>
    %swap3A_83 = arith.constant 512 : index
    %swap3A_84 = arith.constant 0 : index
    %swap3A_85 = vector.load %arg7[%swap3A_83, %swap3A_84] : memref<8192x128xf32, #tpu.memory_space<vmem>>, vector<512x128xf32>
    tpu.vector_store %arg7[%swap3A_83, %swap3A_84], %add3A_82 {strides = array<i32>} : memref<8192x128xf32, #tpu.memory_space<vmem>>, vector<512x128xf32>,
    %get3A_86 = arith.constant 0 : index
    %get3A_87 = arith.constant 0 : index
    %get3A_88 = arith.constant 2 : index
    %get3A_89 = vector.load %arg2[%get3A_86, %get3A_87, %get3A_88] : memref<1x512x16xf32, #tpu.memory_space<vmem>>, vector<1x512x1xf32>
    %get3A_90 = vector.shape_cast %get3A_89 : vector<1x512x1xf32> to vector<512xf32>
    %broadcast_in_dim3A_91 = vector.shape_cast %get3A_90 : vector<512xf32> to vector<512x1xf32>
    %get3A_92 = arith.constant 1024 : index
    %get3A_93 = arith.constant 0 : index
    %get3A_94 = vector.load %arg1[%get3A_92, %get3A_93] : memref<8192x128xf32, #tpu.memory_space<vmem>>, vector<512x128xf32>
    %add3A_95 = arith.addf %get3A_94, %get3A_1 : vector<512x128xf32>
    %add3A_96 = vector.broadcast %broadcast_in_dim3A : vector<1x128xf32> to vector<512x128xf32>
    %add3A_97 = arith.addf %add3A_95, %add3A_96 : vector<512x128xf32>
    %mul3A_98 = vector.broadcast %broadcast_in_dim3A_91 : vector<512x1xf32> to vector<512x128xf32>
    %mul3A_99 = vector.broadcast %sub3A : vector<1x128xf32> to vector<512x128xf32>
    %mul3A_100 = arith.mulf %mul3A_98, %mul3A_99 : vector<512x128xf32>
    %add3A_101 = arith.addf %add3A_97, %mul3A_100 : vector<512x128xf32>
    %dot_general3A_102 = arith.constant dense<0.000000e+00> : vector<512x128xf32>
    %dot_general3A_103 = tpu.matmul %add3A_101, %broadcast_in_dim3A_18, %dot_general3A_102 {dimension_numbers = #tpu.dot_dimension_numbers<[1], [0], [0], [1], [0, 0, 1, 1], [], []>, transpose_lhs_hint = false} : vector<512x128xf32>, vector<128x128xf32>, vector<512x128xf32> -> vector<512x128xf32>
    %mul3A_104 = arith.mulf %add3A_101, %add3A_101 : vector<512x128xf32>
    %dot_general3A_105 = arith.constant dense<0.000000e+00> : vector<512x128xf32>
    %dot_general3A_106 = tpu.matmul %mul3A_104, %broadcast_in_dim3A_18, %dot_general3A_105 {dimension_numbers = #tpu.dot_dimension_numbers<[1], [0], [0], [1], [0, 0, 1, 1], [], []>, transpose_lhs_hint = false} : vector<512x128xf32>, vector<128x128xf32>, vector<512x128xf32> -> vector<512x128xf32>
    %mul3A_107 = arith.mulf %dot_general3A_103, %dot_general3A_103 : vector<512x128xf32>
    %sub3A_108 = arith.subf %dot_general3A_106, %mul3A_107 : vector<512x128xf32>
    %sub3A_109 = arith.subf %add3A_101, %dot_general3A_103 : vector<512x128xf32>
    %add3A_110 = arith.constant 9.99999996E-13 : f32
    %add3A_111 = vector.broadcast %add3A_110 : f32 to vector<512x128xf32>
    %add3A_112 = arith.addf %sub3A_108, %add3A_111 : vector<512x128xf32>
    %rsqrt3A_113 = math.rsqrt %add3A_112 : vector<512x128xf32>
    %mul3A_114 = arith.mulf %sub3A_109, %rsqrt3A_113 : vector<512x128xf32>
    %mul3A_115 = vector.broadcast %get3A_13 : vector<1x128xf32> to vector<512x128xf32>
    %mul3A_116 = arith.mulf %mul3A_114, %mul3A_115 : vector<512x128xf32>
    %add3A_117 = vector.broadcast %get3A_16 : vector<1x128xf32> to vector<512x128xf32>
    %add3A_118 = arith.addf %mul3A_116, %add3A_117 : vector<512x128xf32>
    %swap3A_119 = arith.constant 1024 : index
    %swap3A_120 = arith.constant 0 : index
    %swap3A_121 = vector.load %arg7[%swap3A_119, %swap3A_120] : memref<8192x128xf32, #tpu.memory_space<vmem>>, vector<512x128xf32>
    tpu.vector_store %arg7[%swap3A_119, %swap3A_120], %add3A_118 {strides = array<i32>} : memref<8192x128xf32, #tpu.memory_space<vmem>>, vector<512x128xf32>,
    %get3A_122 = arith.constant 0 : index
    %get3A_123 = arith.constant 0 : index
    %get3A_124 = arith.constant 3 : index
    %get3A_125 = vector.load %arg2[%get3A_122, %get3A_123, %get3A_124] : memref<1x512x16xf32, #tpu.memory_space<vmem>>, vector<1x512x1xf32>
    %get3A_126 = vector.shape_cast %get3A_125 : vector<1x512x1xf32> to vector<512xf32>
    %broadcast_in_dim3A_127 = vector.shape_cast %get3A_126 : vector<512xf32> to vector<512x1xf32>
    %get3A_128 = arith.constant 1536 : index
    %get3A_129 = arith.constant 0 : index
    %get3A_130 = vector.load %arg1[%get3A_128, %get3A_129] : memref<8192x128xf32, #tpu.memory_space<vmem>>, vector<512x128xf32>
    %add3A_131 = arith.addf %get3A_130, %get3A_1 : vector<512x128xf32>
    %add3A_132 = vector.broadcast %broadcast_in_dim3A : vector<1x128xf32> to vector<512x128xf32>
    %add3A_133 = arith.addf %add3A_131, %add3A_132 : vector<512x128xf32>
    %mul3A_134 = vector.broadcast %broadcast_in_dim3A_127 : vector<512x1xf32> to vector<512x128xf32>
    %mul3A_135 = vector.broadcast %sub3A : vector<1x128xf32> to vector<512x128xf32>
    %mul3A_136 = arith.mulf %mul3A_134, %mul3A_135 : vector<512x128xf32>
    %add3A_137 = arith.addf %add3A_133, %mul3A_136 : vector<512x128xf32>
    %dot_general3A_138 = arith.constant dense<0.000000e+00> : vector<512x128xf32>
    %dot_general3A_139 = tpu.matmul %add3A_137, %broadcast_in_dim3A_18, %dot_general3A_138 {dimension_numbers = #tpu.dot_dimension_numbers<[1], [0], [0], [1], [0, 0, 1, 1], [], []>, transpose_lhs_hint = false} : vector<512x128xf32>, vector<128x128xf32>, vector<512x128xf32> -> vector<512x128xf32>
    %mul3A_140 = arith.mulf %add3A_137, %add3A_137 : vector<512x128xf32>
    %dot_general3A_141 = arith.constant dense<0.000000e+00> : vector<512x128xf32>
    %dot_general3A_142 = tpu.matmul %mul3A_140, %broadcast_in_dim3A_18, %dot_general3A_141 {dimension_numbers = #tpu.dot_dimension_numbers<[1], [0], [0], [1], [0, 0, 1, 1], [], []>, transpose_lhs_hint = false} : vector<512x128xf32>, vector<128x128xf32>, vector<512x128xf32> -> vector<512x128xf32>
    %mul3A_143 = arith.mulf %dot_general3A_139, %dot_general3A_139 : vector<512x128xf32>
    %sub3A_144 = arith.subf %dot_general3A_142, %mul3A_143 : vector<512x128xf32>
    %sub3A_145 = arith.subf %add3A_137, %dot_general3A_139 : vector<512x128xf32>
    %add3A_146 = arith.constant 9.99999996E-13 : f32
    %add3A_147 = vector.broadcast %add3A_146 : f32 to vector<512x128xf32>
    %add3A_148 = arith.addf %sub3A_144, %add3A_147 : vector<512x128xf32>
    %rsqrt3A_149 = math.rsqrt %add3A_148 : vector<512x128xf32>
    %mul3A_150 = arith.mulf %sub3A_145, %rsqrt3A_149 : vector<512x128xf32>
    %mul3A_151 = vector.broadcast %get3A_13 : vector<1x128xf32> to vector<512x128xf32>
    %mul3A_152 = arith.mulf %mul3A_150, %mul3A_151 : vector<512x128xf32>
    %add3A_153 = vector.broadcast %get3A_16 : vector<1x128xf32> to vector<512x128xf32>
    %add3A_154 = arith.addf %mul3A_152, %add3A_153 : vector<512x128xf32>
    %swap3A_155 = arith.constant 1536 : index
    %swap3A_156 = arith.constant 0 : index
    %swap3A_157 = vector.load %arg7[%swap3A_155, %swap3A_156] : memref<8192x128xf32, #tpu.memory_space<vmem>>, vector<512x128xf32>
    tpu.vector_store %arg7[%swap3A_155, %swap3A_156], %add3A_154 {strides = array<i32>} : memref<8192x128xf32, #tpu.memory_space<vmem>>, vector<512x128xf32>,
    %get3A_158 = arith.constant 0 : index
    %get3A_159 = arith.constant 0 : index
    %get3A_160 = arith.constant 4 : index
    %get3A_161 = vector.load %arg2[%get3A_158, %get3A_159, %get3A_160] : memref<1x512x16xf32, #tpu.memory_space<vmem>>, vector<1x512x1xf32>
    %get3A_162 = vector.shape_cast %get3A_161 : vector<1x512x1xf32> to vector<512xf32>
    %broadcast_in_dim3A_163 = vector.shape_cast %get3A_162 : vector<512xf32> to vector<512x1xf32>
    %get3A_164 = arith.constant 2048 : index
    %get3A_165 = arith.constant 0 : index
    %get3A_166 = vector.load %arg1[%get3A_164, %get3A_165] : memref<8192x128xf32, #tpu.memory_space<vmem>>, vector<512x128xf32>
    %add3A_167 = arith.addf %get3A_166, %get3A_1 : vector<512x128xf32>
    %add3A_168 = vector.broadcast %broadcast_in_dim3A : vector<1x128xf32> to vector<512x128xf32>
    %add3A_169 = arith.addf %add3A_167, %add3A_168 : vector<512x128xf32>
    %mul3A_170 = vector.broadcast %broadcast_in_dim3A_163 : vector<512x1xf32> to vector<512x128xf32>
    %mul3A_171 = vector.broadcast %sub3A : vector<1x128xf32> to vector<512x128xf32>
    %mul3A_172 = arith.mulf %mul3A_170, %mul3A_171 : vector<512x128xf32>
    %add3A_173 = arith.addf %add3A_169, %mul3A_172 : vector<512x128xf32>
    %dot_general3A_174 = arith.constant dense<0.000000e+00> : vector<512x128xf32>
    %dot_general3A_175 = tpu.matmul %add3A_173, %broadcast_in_dim3A_18, %dot_general3A_174 {dimension_numbers = #tpu.dot_dimension_numbers<[1], [0], [0], [1], [0, 0, 1, 1], [], []>, transpose_lhs_hint = false} : vector<512x128xf32>, vector<128x128xf32>, vector<512x128xf32> -> vector<512x128xf32>
    %mul3A_176 = arith.mulf %add3A_173, %add3A_173 : vector<512x128xf32>
    %dot_general3A_177 = arith.constant dense<0.000000e+00> : vector<512x128xf32>
    %dot_general3A_178 = tpu.matmul %mul3A_176, %broadcast_in_dim3A_18, %dot_general3A_177 {dimension_numbers = #tpu.dot_dimension_numbers<[1], [0], [0], [1], [0, 0, 1, 1], [], []>, transpose_lhs_hint = false} : vector<512x128xf32>, vector<128x128xf32>, vector<512x128xf32> -> vector<512x128xf32>
    %mul3A_179 = arith.mulf %dot_general3A_175, %dot_general3A_175 : vector<512x128xf32>
    %sub3A_180 = arith.subf %dot_general3A_178, %mul3A_179 : vector<512x128xf32>
    %sub3A_181 = arith.subf %add3A_173, %dot_general3A_175 : vector<512x128xf32>
    %add3A_182 = arith.constant 9.99999996E-13 : f32
    %add3A_183 = vector.broadcast %add3A_182 : f32 to vector<512x128xf32>
    %add3A_184 = arith.addf %sub3A_180, %add3A_183 : vector<512x128xf32>
    %rsqrt3A_185 = math.rsqrt %add3A_184 : vector<512x128xf32>
    %mul3A_186 = arith.mulf %sub3A_181, %rsqrt3A_185 : vector<512x128xf32>
    %mul3A_187 = vector.broadcast %get3A_13 : vector<1x128xf32> to vector<512x128xf32>
    %mul3A_188 = arith.mulf %mul3A_186, %mul3A_187 : vector<512x128xf32>
    %add3A_189 = vector.broadcast %get3A_16 : vector<1x128xf32> to vector<512x128xf32>
    %add3A_190 = arith.addf %mul3A_188, %add3A_189 : vector<512x128xf32>
    %swap3A_191 = arith.constant 2048 : index
    %swap3A_192 = arith.constant 0 : index
    %swap3A_193 = vector.load %arg7[%swap3A_191, %swap3A_192] : memref<8192x128xf32, #tpu.memory_space<vmem>>, vector<512x128xf32>
    tpu.vector_store %arg7[%swap3A_191, %swap3A_192], %add3A_190 {strides = array<i32>} : memref<8192x128xf32, #tpu.memory_space<vmem>>, vector<512x128xf32>,
    %get3A_194 = arith.constant 0 : index
    %get3A_195 = arith.constant 0 : index
    %get3A_196 = arith.constant 5 : index
    %get3A_197 = vector.load %arg2[%get3A_194, %get3A_195, %get3A_196] : memref<1x512x16xf32, #tpu.memory_space<vmem>>, vector<1x512x1xf32>
    %get3A_198 = vector.shape_cast %get3A_197 : vector<1x512x1xf32> to vector<512xf32>
    %broadcast_in_dim3A_199 = vector.shape_cast %get3A_198 : vector<512xf32> to vector<512x1xf32>
    %get3A_200 = arith.constant 2560 : index
    %get3A_201 = arith.constant 0 : index
    %get3A_202 = vector.load %arg1[%get3A_200, %get3A_201] : memref<8192x128xf32, #tpu.memory_space<vmem>>, vector<512x128xf32>
    %add3A_203 = arith.addf %get3A_202, %get3A_1 : vector<512x128xf32>
    %add3A_204 = vector.broadcast %broadcast_in_dim3A : vector<1x128xf32> to vector<512x128xf32>
    %add3A_205 = arith.addf %add3A_203, %add3A_204 : vector<512x128xf32>
    %mul3A_206 = vector.broadcast %broadcast_in_dim3A_199 : vector<512x1xf32> to vector<512x128xf32>
    %mul3A_207 = vector.broadcast %sub3A : vector<1x128xf32> to vector<512x128xf32>
    %mul3A_208 = arith.mulf %mul3A_206, %mul3A_207 : vector<512x128xf32>
    %add3A_209 = arith.addf %add3A_205, %mul3A_208 : vector<512x128xf32>
    %dot_general3A_210 = arith.constant dense<0.000000e+00> : vector<512x128xf32>
    %dot_general3A_211 = tpu.matmul %add3A_209, %broadcast_in_dim3A_18, %dot_general3A_210 {dimension_numbers = #tpu.dot_dimension_numbers<[1], [0], [0], [1], [0, 0, 1, 1], [], []>, transpose_lhs_hint = false} : vector<512x128xf32>, vector<128x128xf32>, vector<512x128xf32> -> vector<512x128xf32>
    %mul3A_212 = arith.mulf %add3A_209, %add3A_209 : vector<512x128xf32>
    %dot_general3A_213 = arith.constant dense<0.000000e+00> : vector<512x128xf32>
    %dot_general3A_214 = tpu.matmul %mul3A_212, %broadcast_in_dim3A_18, %dot_general3A_213 {dimension_numbers = #tpu.dot_dimension_numbers<[1], [0], [0], [1], [0, 0, 1, 1], [], []>, transpose_lhs_hint = false} : vector<512x128xf32>, vector<128x128xf32>, vector<512x128xf32> -> vector<512x128xf32>
    %mul3A_215 = arith.mulf %dot_general3A_211, %dot_general3A_211 : vector<512x128xf32>
    %sub3A_216 = arith.subf %dot_general3A_214, %mul3A_215 : vector<512x128xf32>
    %sub3A_217 = arith.subf %add3A_209, %dot_general3A_211 : vector<512x128xf32>
    %add3A_218 = arith.constant 9.99999996E-13 : f32
    %add3A_219 = vector.broadcast %add3A_218 : f32 to vector<512x128xf32>
    %add3A_220 = arith.addf %sub3A_216, %add3A_219 : vector<512x128xf32>
    %rsqrt3A_221 = math.rsqrt %add3A_220 : vector<512x128xf32>
    %mul3A_222 = arith.mulf %sub3A_217, %rsqrt3A_221 : vector<512x128xf32>
    %mul3A_223 = vector.broadcast %get3A_13 : vector<1x128xf32> to vector<512x128xf32>
    %mul3A_224 = arith.mulf %mul3A_222, %mul3A_223 : vector<512x128xf32>
    %add3A_225 = vector.broadcast %get3A_16 : vector<1x128xf32> to vector<512x128xf32>
    %add3A_226 = arith.addf %mul3A_224, %add3A_225 : vector<512x128xf32>
    %swap3A_227 = arith.constant 2560 : index
    %swap3A_228 = arith.constant 0 : index
    %swap3A_229 = vector.load %arg7[%swap3A_227, %swap3A_228] : memref<8192x128xf32, #tpu.memory_space<vmem>>, vector<512x128xf32>
    tpu.vector_store %arg7[%swap3A_227, %swap3A_228], %add3A_226 {strides = array<i32>} : memref<8192x128xf32, #tpu.memory_space<vmem>>, vector<512x128xf32>,
    %get3A_230 = arith.constant 0 : index
    %get3A_231 = arith.constant 0 : index
    %get3A_232 = arith.constant 6 : index
    %get3A_233 = vector.load %arg2[%get3A_230, %get3A_231, %get3A_232] : memref<1x512x16xf32, #tpu.memory_space<vmem>>, vector<1x512x1xf32>
    %get3A_234 = vector.shape_cast %get3A_233 : vector<1x512x1xf32> to vector<512xf32>
    %broadcast_in_dim3A_235 = vector.shape_cast %get3A_234 : vector<512xf32> to vector<512x1xf32>
    %get3A_236 = arith.constant 3072 : index
    %get3A_237 = arith.constant 0 : index
    %get3A_238 = vector.load %arg1[%get3A_236, %get3A_237] : memref<8192x128xf32, #tpu.memory_space<vmem>>, vector<512x128xf32>
    %add3A_239 = arith.addf %get3A_238, %get3A_1 : vector<512x128xf32>
    %add3A_240 = vector.broadcast %broadcast_in_dim3A : vector<1x128xf32> to vector<512x128xf32>
    %add3A_241 = arith.addf %add3A_239, %add3A_240 : vector<512x128xf32>
    %mul3A_242 = vector.broadcast %broadcast_in_dim3A_235 : vector<512x1xf32> to vector<512x128xf32>
    %mul3A_243 = vector.broadcast %sub3A : vector<1x128xf32> to vector<512x128xf32>
    %mul3A_244 = arith.mulf %mul3A_242, %mul3A_243 : vector<512x128xf32>
    %add3A_245 = arith.addf %add3A_241, %mul3A_244 : vector<512x128xf32>
    %dot_general3A_246 = arith.constant dense<0.000000e+00> : vector<512x128xf32>
    %dot_general3A_247 = tpu.matmul %add3A_245, %broadcast_in_dim3A_18, %dot_general3A_246 {dimension_numbers = #tpu.dot_dimension_numbers<[1], [0], [0], [1], [0, 0, 1, 1], [], []>, transpose_lhs_hint = false} : vector<512x128xf32>, vector<128x128xf32>, vector<512x128xf32> -> vector<512x128xf32>
    %mul3A_248 = arith.mulf %add3A_245, %add3A_245 : vector<512x128xf32>
    %dot_general3A_249 = arith.constant dense<0.000000e+00> : vector<512x128xf32>
    %dot_general3A_250 = tpu.matmul %mul3A_248, %broadcast_in_dim3A_18, %dot_general3A_249 {dimension_numbers = #tpu.dot_dimension_numbers<[1], [0], [0], [1], [0, 0, 1, 1], [], []>, transpose_lhs_hint = false} : vector<512x128xf32>, vector<128x128xf32>, vector<512x128xf32> -> vector<512x128xf32>
    %mul3A_251 = arith.mulf %dot_general3A_247, %dot_general3A_247 : vector<512x128xf32>
    %sub3A_252 = arith.subf %dot_general3A_250, %mul3A_251 : vector<512x128xf32>
    %sub3A_253 = arith.subf %add3A_245, %dot_general3A_247 : vector<512x128xf32>
    %add3A_254 = arith.constant 9.99999996E-13 : f32
    %add3A_255 = vector.broadcast %add3A_254 : f32 to vector<512x128xf32>
    %add3A_256 = arith.addf %sub3A_252, %add3A_255 : vector<512x128xf32>
    %rsqrt3A_257 = math.rsqrt %add3A_256 : vector<512x128xf32>
    %mul3A_258 = arith.mulf %sub3A_253, %rsqrt3A_257 : vector<512x128xf32>
    %mul3A_259 = vector.broadcast %get3A_13 : vector<1x128xf32> to vector<512x128xf32>
    %mul3A_260 = arith.mulf %mul3A_258, %mul3A_259 : vector<512x128xf32>
    %add3A_261 = vector.broadcast %get3A_16 : vector<1x128xf32> to vector<512x128xf32>
    %add3A_262 = arith.addf %mul3A_260, %add3A_261 : vector<512x128xf32>
    %swap3A_263 = arith.constant 3072 : index
    %swap3A_264 = arith.constant 0 : index
    %swap3A_265 = vector.load %arg7[%swap3A_263, %swap3A_264] : memref<8192x128xf32, #tpu.memory_space<vmem>>, vector<512x128xf32>
    tpu.vector_store %arg7[%swap3A_263, %swap3A_264], %add3A_262 {strides = array<i32>} : memref<8192x128xf32, #tpu.memory_space<vmem>>, vector<512x128xf32>,
    %get3A_266 = arith.constant 0 : index
    %get3A_267 = arith.constant 0 : index
    %get3A_268 = arith.constant 7 : index
    %get3A_269 = vector.load %arg2[%get3A_266, %get3A_267, %get3A_268] : memref<1x512x16xf32, #tpu.memory_space<vmem>>, vector<1x512x1xf32>
    %get3A_270 = vector.shape_cast %get3A_269 : vector<1x512x1xf32> to vector<512xf32>
    %broadcast_in_dim3A_271 = vector.shape_cast %get3A_270 : vector<512xf32> to vector<512x1xf32>
    %get3A_272 = arith.constant 3584 : index
    %get3A_273 = arith.constant 0 : index
    %get3A_274 = vector.load %arg1[%get3A_272, %get3A_273] : memref<8192x128xf32, #tpu.memory_space<vmem>>, vector<512x128xf32>
    %add3A_275 = arith.addf %get3A_274, %get3A_1 : vector<512x128xf32>
    %add3A_276 = vector.broadcast %broadcast_in_dim3A : vector<1x128xf32> to vector<512x128xf32>
    %add3A_277 = arith.addf %add3A_275, %add3A_276 : vector<512x128xf32>
    %mul3A_278 = vector.broadcast %broadcast_in_dim3A_271 : vector<512x1xf32> to vector<512x128xf32>
    %mul3A_279 = vector.broadcast %sub3A : vector<1x128xf32> to vector<512x128xf32>
    %mul3A_280 = arith.mulf %mul3A_278, %mul3A_279 : vector<512x128xf32>
    %add3A_281 = arith.addf %add3A_277, %mul3A_280 : vector<512x128xf32>
    %dot_general3A_282 = arith.constant dense<0.000000e+00> : vector<512x128xf32>
    %dot_general3A_283 = tpu.matmul %add3A_281, %broadcast_in_dim3A_18, %dot_general3A_282 {dimension_numbers = #tpu.dot_dimension_numbers<[1], [0], [0], [1], [0, 0, 1, 1], [], []>, transpose_lhs_hint = false} : vector<512x128xf32>, vector<128x128xf32>, vector<512x128xf32> -> vector<512x128xf32>
    %mul3A_284 = arith.mulf %add3A_281, %add3A_281 : vector<512x128xf32>
    %dot_general3A_285 = arith.constant dense<0.000000e+00> : vector<512x128xf32>
    %dot_general3A_286 = tpu.matmul %mul3A_284, %broadcast_in_dim3A_18, %dot_general3A_285 {dimension_numbers = #tpu.dot_dimension_numbers<[1], [0], [0], [1], [0, 0, 1, 1], [], []>, transpose_lhs_hint = false} : vector<512x128xf32>, vector<128x128xf32>, vector<512x128xf32> -> vector<512x128xf32>
    %mul3A_287 = arith.mulf %dot_general3A_283, %dot_general3A_283 : vector<512x128xf32>
    %sub3A_288 = arith.subf %dot_general3A_286, %mul3A_287 : vector<512x128xf32>
    %sub3A_289 = arith.subf %add3A_281, %dot_general3A_283 : vector<512x128xf32>
    %add3A_290 = arith.constant 9.99999996E-13 : f32
    %add3A_291 = vector.broadcast %add3A_290 : f32 to vector<512x128xf32>
    %add3A_292 = arith.addf %sub3A_288, %add3A_291 : vector<512x128xf32>
    %rsqrt3A_293 = math.rsqrt %add3A_292 : vector<512x128xf32>
    %mul3A_294 = arith.mulf %sub3A_289, %rsqrt3A_293 : vector<512x128xf32>
    %mul3A_295 = vector.broadcast %get3A_13 : vector<1x128xf32> to vector<512x128xf32>
    %mul3A_296 = arith.mulf %mul3A_294, %mul3A_295 : vector<512x128xf32>
    %add3A_297 = vector.broadcast %get3A_16 : vector<1x128xf32> to vector<512x128xf32>
    %add3A_298 = arith.addf %mul3A_296, %add3A_297 : vector<512x128xf32>
    %swap3A_299 = arith.constant 3584 : index
    %swap3A_300 = arith.constant 0 : index
    %swap3A_301 = vector.load %arg7[%swap3A_299, %swap3A_300] : memref<8192x128xf32, #tpu.memory_space<vmem>>, vector<512x128xf32>
    tpu.vector_store %arg7[%swap3A_299, %swap3A_300], %add3A_298 {strides = array<i32>} : memref<8192x128xf32, #tpu.memory_space<vmem>>, vector<512x128xf32>,
    %get3A_302 = arith.constant 0 : index
    %get3A_303 = arith.constant 0 : index
    %get3A_304 = arith.constant 8 : index
    %get3A_305 = vector.load %arg2[%get3A_302, %get3A_303, %get3A_304] : memref<1x512x16xf32, #tpu.memory_space<vmem>>, vector<1x512x1xf32>
    %get3A_306 = vector.shape_cast %get3A_305 : vector<1x512x1xf32> to vector<512xf32>
    %broadcast_in_dim3A_307 = vector.shape_cast %get3A_306 : vector<512xf32> to vector<512x1xf32>
    %get3A_308 = arith.constant 4096 : index
    %get3A_309 = arith.constant 0 : index
    %get3A_310 = vector.load %arg1[%get3A_308, %get3A_309] : memref<8192x128xf32, #tpu.memory_space<vmem>>, vector<512x128xf32>
    %add3A_311 = arith.addf %get3A_310, %get3A_1 : vector<512x128xf32>
    %add3A_312 = vector.broadcast %broadcast_in_dim3A : vector<1x128xf32> to vector<512x128xf32>
    %add3A_313 = arith.addf %add3A_311, %add3A_312 : vector<512x128xf32>
    %mul3A_314 = vector.broadcast %broadcast_in_dim3A_307 : vector<512x1xf32> to vector<512x128xf32>
    %mul3A_315 = vector.broadcast %sub3A : vector<1x128xf32> to vector<512x128xf32>
    %mul3A_316 = arith.mulf %mul3A_314, %mul3A_315 : vector<512x128xf32>
    %add3A_317 = arith.addf %add3A_313, %mul3A_316 : vector<512x128xf32>
    %dot_general3A_318 = arith.constant dense<0.000000e+00> : vector<512x128xf32>
    %dot_general3A_319 = tpu.matmul %add3A_317, %broadcast_in_dim3A_18, %dot_general3A_318 {dimension_numbers = #tpu.dot_dimension_numbers<[1], [0], [0], [1], [0, 0, 1, 1], [], []>, transpose_lhs_hint = false} : vector<512x128xf32>, vector<128x128xf32>, vector<512x128xf32> -> vector<512x128xf32>
    %mul3A_320 = arith.mulf %add3A_317, %add3A_317 : vector<512x128xf32>
    %dot_general3A_321 = arith.constant dense<0.000000e+00> : vector<512x128xf32>
    %dot_general3A_322 = tpu.matmul %mul3A_320, %broadcast_in_dim3A_18, %dot_general3A_321 {dimension_numbers = #tpu.dot_dimension_numbers<[1], [0], [0], [1], [0, 0, 1, 1], [], []>, transpose_lhs_hint = false} : vector<512x128xf32>, vector<128x128xf32>, vector<512x128xf32> -> vector<512x128xf32>
    %mul3A_323 = arith.mulf %dot_general3A_319, %dot_general3A_319 : vector<512x128xf32>
    %sub3A_324 = arith.subf %dot_general3A_322, %mul3A_323 : vector<512x128xf32>
    %sub3A_325 = arith.subf %add3A_317, %dot_general3A_319 : vector<512x128xf32>
    %add3A_326 = arith.constant 9.99999996E-13 : f32
    %add3A_327 = vector.broadcast %add3A_326 : f32 to vector<512x128xf32>
    %add3A_328 = arith.addf %sub3A_324, %add3A_327 : vector<512x128xf32>
    %rsqrt3A_329 = math.rsqrt %add3A_328 : vector<512x128xf32>
    %mul3A_330 = arith.mulf %sub3A_325, %rsqrt3A_329 : vector<512x128xf32>
    %mul3A_331 = vector.broadcast %get3A_13 : vector<1x128xf32> to vector<512x128xf32>
    %mul3A_332 = arith.mulf %mul3A_330, %mul3A_331 : vector<512x128xf32>
    %add3A_333 = vector.broadcast %get3A_16 : vector<1x128xf32> to vector<512x128xf32>
    %add3A_334 = arith.addf %mul3A_332, %add3A_333 : vector<512x128xf32>
    %swap3A_335 = arith.constant 4096 : index
    %swap3A_336 = arith.constant 0 : index
    %swap3A_337 = vector.load %arg7[%swap3A_335, %swap3A_336] : memref<8192x128xf32, #tpu.memory_space<vmem>>, vector<512x128xf32>
    tpu.vector_store %arg7[%swap3A_335, %swap3A_336], %add3A_334 {strides = array<i32>} : memref<8192x128xf32, #tpu.memory_space<vmem>>, vector<512x128xf32>,
    %get3A_338 = arith.constant 0 : index
    %get3A_339 = arith.constant 0 : index
    %get3A_340 = arith.constant 9 : index
    %get3A_341 = vector.load %arg2[%get3A_338, %get3A_339, %get3A_340] : memref<1x512x16xf32, #tpu.memory_space<vmem>>, vector<1x512x1xf32>
    %get3A_342 = vector.shape_cast %get3A_341 : vector<1x512x1xf32> to vector<512xf32>
    %broadcast_in_dim3A_343 = vector.shape_cast %get3A_342 : vector<512xf32> to vector<512x1xf32>
    %get3A_344 = arith.constant 4608 : index
    %get3A_345 = arith.constant 0 : index
    %get3A_346 = vector.load %arg1[%get3A_344, %get3A_345] : memref<8192x128xf32, #tpu.memory_space<vmem>>, vector<512x128xf32>
    %add3A_347 = arith.addf %get3A_346, %get3A_1 : vector<512x128xf32>
    %add3A_348 = vector.broadcast %broadcast_in_dim3A : vector<1x128xf32> to vector<512x128xf32>
    %add3A_349 = arith.addf %add3A_347, %add3A_348 : vector<512x128xf32>
    %mul3A_350 = vector.broadcast %broadcast_in_dim3A_343 : vector<512x1xf32> to vector<512x128xf32>
    %mul3A_351 = vector.broadcast %sub3A : vector<1x128xf32> to vector<512x128xf32>
    %mul3A_352 = arith.mulf %mul3A_350, %mul3A_351 : vector<512x128xf32>
    %add3A_353 = arith.addf %add3A_349, %mul3A_352 : vector<512x128xf32>
    %dot_general3A_354 = arith.constant dense<0.000000e+00> : vector<512x128xf32>
    %dot_general3A_355 = tpu.matmul %add3A_353, %broadcast_in_dim3A_18, %dot_general3A_354 {dimension_numbers = #tpu.dot_dimension_numbers<[1], [0], [0], [1], [0, 0, 1, 1], [], []>, transpose_lhs_hint = false} : vector<512x128xf32>, vector<128x128xf32>, vector<512x128xf32> -> vector<512x128xf32>
    %mul3A_356 = arith.mulf %add3A_353, %add3A_353 : vector<512x128xf32>
    %dot_general3A_357 = arith.constant dense<0.000000e+00> : vector<512x128xf32>
    %dot_general3A_358 = tpu.matmul %mul3A_356, %broadcast_in_dim3A_18, %dot_general3A_357 {dimension_numbers = #tpu.dot_dimension_numbers<[1], [0], [0], [1], [0, 0, 1, 1], [], []>, transpose_lhs_hint = false} : vector<512x128xf32>, vector<128x128xf32>, vector<512x128xf32> -> vector<512x128xf32>
    %mul3A_359 = arith.mulf %dot_general3A_355, %dot_general3A_355 : vector<512x128xf32>
    %sub3A_360 = arith.subf %dot_general3A_358, %mul3A_359 : vector<512x128xf32>
    %sub3A_361 = arith.subf %add3A_353, %dot_general3A_355 : vector<512x128xf32>
    %add3A_362 = arith.constant 9.99999996E-13 : f32
    %add3A_363 = vector.broadcast %add3A_362 : f32 to vector<512x128xf32>
    %add3A_364 = arith.addf %sub3A_360, %add3A_363 : vector<512x128xf32>
    %rsqrt3A_365 = math.rsqrt %add3A_364 : vector<512x128xf32>
    %mul3A_366 = arith.mulf %sub3A_361, %rsqrt3A_365 : vector<512x128xf32>
    %mul3A_367 = vector.broadcast %get3A_13 : vector<1x128xf32> to vector<512x128xf32>
    %mul3A_368 = arith.mulf %mul3A_366, %mul3A_367 : vector<512x128xf32>
    %add3A_369 = vector.broadcast %get3A_16 : vector<1x128xf32> to vector<512x128xf32>
    %add3A_370 = arith.addf %mul3A_368, %add3A_369 : vector<512x128xf32>
    %swap3A_371 = arith.constant 4608 : index
    %swap3A_372 = arith.constant 0 : index
    %swap3A_373 = vector.load %arg7[%swap3A_371, %swap3A_372] : memref<8192x128xf32, #tpu.memory_space<vmem>>, vector<512x128xf32>
    tpu.vector_store %arg7[%swap3A_371, %swap3A_372], %add3A_370 {strides = array<i32>} : memref<8192x128xf32, #tpu.memory_space<vmem>>, vector<512x128xf32>,
    %get3A_374 = arith.constant 0 : index
    %get3A_375 = arith.constant 0 : index
    %get3A_376 = arith.constant 10 : index
    %get3A_377 = vector.load %arg2[%get3A_374, %get3A_375, %get3A_376] : memref<1x512x16xf32, #tpu.memory_space<vmem>>, vector<1x512x1xf32>
    %get3A_378 = vector.shape_cast %get3A_377 : vector<1x512x1xf32> to vector<512xf32>
    %broadcast_in_dim3A_379 = vector.shape_cast %get3A_378 : vector<512xf32> to vector<512x1xf32>
    %get3A_380 = arith.constant 5120 : index
    %get3A_381 = arith.constant 0 : index
    %get3A_382 = vector.load %arg1[%get3A_380, %get3A_381] : memref<8192x128xf32, #tpu.memory_space<vmem>>, vector<512x128xf32>
    %add3A_383 = arith.addf %get3A_382, %get3A_1 : vector<512x128xf32>
    %add3A_384 = vector.broadcast %broadcast_in_dim3A : vector<1x128xf32> to vector<512x128xf32>
    %add3A_385 = arith.addf %add3A_383, %add3A_384 : vector<512x128xf32>
    %mul3A_386 = vector.broadcast %broadcast_in_dim3A_379 : vector<512x1xf32> to vector<512x128xf32>
    %mul3A_387 = vector.broadcast %sub3A : vector<1x128xf32> to vector<512x128xf32>
    %mul3A_388 = arith.mulf %mul3A_386, %mul3A_387 : vector<512x128xf32>
    %add3A_389 = arith.addf %add3A_385, %mul3A_388 : vector<512x128xf32>
    %dot_general3A_390 = arith.constant dense<0.000000e+00> : vector<512x128xf32>
    %dot_general3A_391 = tpu.matmul %add3A_389, %broadcast_in_dim3A_18, %dot_general3A_390 {dimension_numbers = #tpu.dot_dimension_numbers<[1], [0], [0], [1], [0, 0, 1, 1], [], []>, transpose_lhs_hint = false} : vector<512x128xf32>, vector<128x128xf32>, vector<512x128xf32> -> vector<512x128xf32>
    %mul3A_392 = arith.mulf %add3A_389, %add3A_389 : vector<512x128xf32>
    %dot_general3A_393 = arith.constant dense<0.000000e+00> : vector<512x128xf32>
    %dot_general3A_394 = tpu.matmul %mul3A_392, %broadcast_in_dim3A_18, %dot_general3A_393 {dimension_numbers = #tpu.dot_dimension_numbers<[1], [0], [0], [1], [0, 0, 1, 1], [], []>, transpose_lhs_hint = false} : vector<512x128xf32>, vector<128x128xf32>, vector<512x128xf32> -> vector<512x128xf32>
    %mul3A_395 = arith.mulf %dot_general3A_391, %dot_general3A_391 : vector<512x128xf32>
    %sub3A_396 = arith.subf %dot_general3A_394, %mul3A_395 : vector<512x128xf32>
    %sub3A_397 = arith.subf %add3A_389, %dot_general3A_391 : vector<512x128xf32>
    %add3A_398 = arith.constant 9.99999996E-13 : f32
    %add3A_399 = vector.broadcast %add3A_398 : f32 to vector<512x128xf32>
    %add3A_400 = arith.addf %sub3A_396, %add3A_399 : vector<512x128xf32>
    %rsqrt3A_401 = math.rsqrt %add3A_400 : vector<512x128xf32>
    %mul3A_402 = arith.mulf %sub3A_397, %rsqrt3A_401 : vector<512x128xf32>
    %mul3A_403 = vector.broadcast %get3A_13 : vector<1x128xf32> to vector<512x128xf32>
    %mul3A_404 = arith.mulf %mul3A_402, %mul3A_403 : vector<512x128xf32>
    %add3A_405 = vector.broadcast %get3A_16 : vector<1x128xf32> to vector<512x128xf32>
    %add3A_406 = arith.addf %mul3A_404, %add3A_405 : vector<512x128xf32>
    %swap3A_407 = arith.constant 5120 : index
    %swap3A_408 = arith.constant 0 : index
    %swap3A_409 = vector.load %arg7[%swap3A_407, %swap3A_408] : memref<8192x128xf32, #tpu.memory_space<vmem>>, vector<512x128xf32>
    tpu.vector_store %arg7[%swap3A_407, %swap3A_408], %add3A_406 {strides = array<i32>} : memref<8192x128xf32, #tpu.memory_space<vmem>>, vector<512x128xf32>,
    %get3A_410 = arith.constant 0 : index
    %get3A_411 = arith.constant 0 : index
    %get3A_412 = arith.constant 11 : index
    %get3A_413 = vector.load %arg2[%get3A_410, %get3A_411, %get3A_412] : memref<1x512x16xf32, #tpu.memory_space<vmem>>, vector<1x512x1xf32>
    %get3A_414 = vector.shape_cast %get3A_413 : vector<1x512x1xf32> to vector<512xf32>
    %broadcast_in_dim3A_415 = vector.shape_cast %get3A_414 : vector<512xf32> to vector<512x1xf32>
    %get3A_416 = arith.constant 5632 : index
    %get3A_417 = arith.constant 0 : index
    %get3A_418 = vector.load %arg1[%get3A_416, %get3A_417] : memref<8192x128xf32, #tpu.memory_space<vmem>>, vector<512x128xf32>
    %add3A_419 = arith.addf %get3A_418, %get3A_1 : vector<512x128xf32>
    %add3A_420 = vector.broadcast %broadcast_in_dim3A : vector<1x128xf32> to vector<512x128xf32>
    %add3A_421 = arith.addf %add3A_419, %add3A_420 : vector<512x128xf32>
    %mul3A_422 = vector.broadcast %broadcast_in_dim3A_415 : vector<512x1xf32> to vector<512x128xf32>
    %mul3A_423 = vector.broadcast %sub3A : vector<1x128xf32> to vector<512x128xf32>
    %mul3A_424 = arith.mulf %mul3A_422, %mul3A_423 : vector<512x128xf32>
    %add3A_425 = arith.addf %add3A_421, %mul3A_424 : vector<512x128xf32>
    %dot_general3A_426 = arith.constant dense<0.000000e+00> : vector<512x128xf32>
    %dot_general3A_427 = tpu.matmul %add3A_425, %broadcast_in_dim3A_18, %dot_general3A_426 {dimension_numbers = #tpu.dot_dimension_numbers<[1], [0], [0], [1], [0, 0, 1, 1], [], []>, transpose_lhs_hint = false} : vector<512x128xf32>, vector<128x128xf32>, vector<512x128xf32> -> vector<512x128xf32>
    %mul3A_428 = arith.mulf %add3A_425, %add3A_425 : vector<512x128xf32>
    %dot_general3A_429 = arith.constant dense<0.000000e+00> : vector<512x128xf32>
    %dot_general3A_430 = tpu.matmul %mul3A_428, %broadcast_in_dim3A_18, %dot_general3A_429 {dimension_numbers = #tpu.dot_dimension_numbers<[1], [0], [0], [1], [0, 0, 1, 1], [], []>, transpose_lhs_hint = false} : vector<512x128xf32>, vector<128x128xf32>, vector<512x128xf32> -> vector<512x128xf32>
    %mul3A_431 = arith.mulf %dot_general3A_427, %dot_general3A_427 : vector<512x128xf32>
    %sub3A_432 = arith.subf %dot_general3A_430, %mul3A_431 : vector<512x128xf32>
    %sub3A_433 = arith.subf %add3A_425, %dot_general3A_427 : vector<512x128xf32>
    %add3A_434 = arith.constant 9.99999996E-13 : f32
    %add3A_435 = vector.broadcast %add3A_434 : f32 to vector<512x128xf32>
    %add3A_436 = arith.addf %sub3A_432, %add3A_435 : vector<512x128xf32>
    %rsqrt3A_437 = math.rsqrt %add3A_436 : vector<512x128xf32>
    %mul3A_438 = arith.mulf %sub3A_433, %rsqrt3A_437 : vector<512x128xf32>
    %mul3A_439 = vector.broadcast %get3A_13 : vector<1x128xf32> to vector<512x128xf32>
    %mul3A_440 = arith.mulf %mul3A_438, %mul3A_439 : vector<512x128xf32>
    %add3A_441 = vector.broadcast %get3A_16 : vector<1x128xf32> to vector<512x128xf32>
    %add3A_442 = arith.addf %mul3A_440, %add3A_441 : vector<512x128xf32>
    %swap3A_443 = arith.constant 5632 : index
    %swap3A_444 = arith.constant 0 : index
    %swap3A_445 = vector.load %arg7[%swap3A_443, %swap3A_444] : memref<8192x128xf32, #tpu.memory_space<vmem>>, vector<512x128xf32>
    tpu.vector_store %arg7[%swap3A_443, %swap3A_444], %add3A_442 {strides = array<i32>} : memref<8192x128xf32, #tpu.memory_space<vmem>>, vector<512x128xf32>,
    %get3A_446 = arith.constant 0 : index
    %get3A_447 = arith.constant 0 : index
    %get3A_448 = arith.constant 12 : index
    %get3A_449 = vector.load %arg2[%get3A_446, %get3A_447, %get3A_448] : memref<1x512x16xf32, #tpu.memory_space<vmem>>, vector<1x512x1xf32>
    %get3A_450 = vector.shape_cast %get3A_449 : vector<1x512x1xf32> to vector<512xf32>
    %broadcast_in_dim3A_451 = vector.shape_cast %get3A_450 : vector<512xf32> to vector<512x1xf32>
    %get3A_452 = arith.constant 6144 : index
    %get3A_453 = arith.constant 0 : index
    %get3A_454 = vector.load %arg1[%get3A_452, %get3A_453] : memref<8192x128xf32, #tpu.memory_space<vmem>>, vector<512x128xf32>
    %add3A_455 = arith.addf %get3A_454, %get3A_1 : vector<512x128xf32>
    %add3A_456 = vector.broadcast %broadcast_in_dim3A : vector<1x128xf32> to vector<512x128xf32>
    %add3A_457 = arith.addf %add3A_455, %add3A_456 : vector<512x128xf32>
    %mul3A_458 = vector.broadcast %broadcast_in_dim3A_451 : vector<512x1xf32> to vector<512x128xf32>
    %mul3A_459 = vector.broadcast %sub3A : vector<1x128xf32> to vector<512x128xf32>
    %mul3A_460 = arith.mulf %mul3A_458, %mul3A_459 : vector<512x128xf32>
    %add3A_461 = arith.addf %add3A_457, %mul3A_460 : vector<512x128xf32>
    %dot_general3A_462 = arith.constant dense<0.000000e+00> : vector<512x128xf32>
    %dot_general3A_463 = tpu.matmul %add3A_461, %broadcast_in_dim3A_18, %dot_general3A_462 {dimension_numbers = #tpu.dot_dimension_numbers<[1], [0], [0], [1], [0, 0, 1, 1], [], []>, transpose_lhs_hint = false} : vector<512x128xf32>, vector<128x128xf32>, vector<512x128xf32> -> vector<512x128xf32>
    %mul3A_464 = arith.mulf %add3A_461, %add3A_461 : vector<512x128xf32>
    %dot_general3A_465 = arith.constant dense<0.000000e+00> : vector<512x128xf32>
    %dot_general3A_466 = tpu.matmul %mul3A_464, %broadcast_in_dim3A_18, %dot_general3A_465 {dimension_numbers = #tpu.dot_dimension_numbers<[1], [0], [0], [1], [0, 0, 1, 1], [], []>, transpose_lhs_hint = false} : vector<512x128xf32>, vector<128x128xf32>, vector<512x128xf32> -> vector<512x128xf32>
    %mul3A_467 = arith.mulf %dot_general3A_463, %dot_general3A_463 : vector<512x128xf32>
    %sub3A_468 = arith.subf %dot_general3A_466, %mul3A_467 : vector<512x128xf32>
    %sub3A_469 = arith.subf %add3A_461, %dot_general3A_463 : vector<512x128xf32>
    %add3A_470 = arith.constant 9.99999996E-13 : f32
    %add3A_471 = vector.broadcast %add3A_470 : f32 to vector<512x128xf32>
    %add3A_472 = arith.addf %sub3A_468, %add3A_471 : vector<512x128xf32>
    %rsqrt3A_473 = math.rsqrt %add3A_472 : vector<512x128xf32>
    %mul3A_474 = arith.mulf %sub3A_469, %rsqrt3A_473 : vector<512x128xf32>
    %mul3A_475 = vector.broadcast %get3A_13 : vector<1x128xf32> to vector<512x128xf32>
    %mul3A_476 = arith.mulf %mul3A_474, %mul3A_475 : vector<512x128xf32>
    %add3A_477 = vector.broadcast %get3A_16 : vector<1x128xf32> to vector<512x128xf32>
    %add3A_478 = arith.addf %mul3A_476, %add3A_477 : vector<512x128xf32>
    %swap3A_479 = arith.constant 6144 : index
    %swap3A_480 = arith.constant 0 : index
    %swap3A_481 = vector.load %arg7[%swap3A_479, %swap3A_480] : memref<8192x128xf32, #tpu.memory_space<vmem>>, vector<512x128xf32>
    tpu.vector_store %arg7[%swap3A_479, %swap3A_480], %add3A_478 {strides = array<i32>} : memref<8192x128xf32, #tpu.memory_space<vmem>>, vector<512x128xf32>,
    %get3A_482 = arith.constant 0 : index
    %get3A_483 = arith.constant 0 : index
    %get3A_484 = arith.constant 13 : index
    %get3A_485 = vector.load %arg2[%get3A_482, %get3A_483, %get3A_484] : memref<1x512x16xf32, #tpu.memory_space<vmem>>, vector<1x512x1xf32>
    %get3A_486 = vector.shape_cast %get3A_485 : vector<1x512x1xf32> to vector<512xf32>
    %broadcast_in_dim3A_487 = vector.shape_cast %get3A_486 : vector<512xf32> to vector<512x1xf32>
    %get3A_488 = arith.constant 6656 : index
    %get3A_489 = arith.constant 0 : index
    %get3A_490 = vector.load %arg1[%get3A_488, %get3A_489] : memref<8192x128xf32, #tpu.memory_space<vmem>>, vector<512x128xf32>
    %add3A_491 = arith.addf %get3A_490, %get3A_1 : vector<512x128xf32>
    %add3A_492 = vector.broadcast %broadcast_in_dim3A : vector<1x128xf32> to vector<512x128xf32>
    %add3A_493 = arith.addf %add3A_491, %add3A_492 : vector<512x128xf32>
    %mul3A_494 = vector.broadcast %broadcast_in_dim3A_487 : vector<512x1xf32> to vector<512x128xf32>
    %mul3A_495 = vector.broadcast %sub3A : vector<1x128xf32> to vector<512x128xf32>
    %mul3A_496 = arith.mulf %mul3A_494, %mul3A_495 : vector<512x128xf32>
    %add3A_497 = arith.addf %add3A_493, %mul3A_496 : vector<512x128xf32>
    %dot_general3A_498 = arith.constant dense<0.000000e+00> : vector<512x128xf32>
    %dot_general3A_499 = tpu.matmul %add3A_497, %broadcast_in_dim3A_18, %dot_general3A_498 {dimension_numbers = #tpu.dot_dimension_numbers<[1], [0], [0], [1], [0, 0, 1, 1], [], []>, transpose_lhs_hint = false} : vector<512x128xf32>, vector<128x128xf32>, vector<512x128xf32> -> vector<512x128xf32>
    %mul3A_500 = arith.mulf %add3A_497, %add3A_497 : vector<512x128xf32>
    %dot_general3A_501 = arith.constant dense<0.000000e+00> : vector<512x128xf32>
    %dot_general3A_502 = tpu.matmul %mul3A_500, %broadcast_in_dim3A_18, %dot_general3A_501 {dimension_numbers = #tpu.dot_dimension_numbers<[1], [0], [0], [1], [0, 0, 1, 1], [], []>, transpose_lhs_hint = false} : vector<512x128xf32>, vector<128x128xf32>, vector<512x128xf32> -> vector<512x128xf32>
    %mul3A_503 = arith.mulf %dot_general3A_499, %dot_general3A_499 : vector<512x128xf32>
    %sub3A_504 = arith.subf %dot_general3A_502, %mul3A_503 : vector<512x128xf32>
    %sub3A_505 = arith.subf %add3A_497, %dot_general3A_499 : vector<512x128xf32>
    %add3A_506 = arith.constant 9.99999996E-13 : f32
    %add3A_507 = vector.broadcast %add3A_506 : f32 to vector<512x128xf32>
    %add3A_508 = arith.addf %sub3A_504, %add3A_507 : vector<512x128xf32>
    %rsqrt3A_509 = math.rsqrt %add3A_508 : vector<512x128xf32>
    %mul3A_510 = arith.mulf %sub3A_505, %rsqrt3A_509 : vector<512x128xf32>
    %mul3A_511 = vector.broadcast %get3A_13 : vector<1x128xf32> to vector<512x128xf32>
    %mul3A_512 = arith.mulf %mul3A_510, %mul3A_511 : vector<512x128xf32>
    %add3A_513 = vector.broadcast %get3A_16 : vector<1x128xf32> to vector<512x128xf32>
    %add3A_514 = arith.addf %mul3A_512, %add3A_513 : vector<512x128xf32>
    %swap3A_515 = arith.constant 6656 : index
    %swap3A_516 = arith.constant 0 : index
    %swap3A_517 = vector.load %arg7[%swap3A_515, %swap3A_516] : memref<8192x128xf32, #tpu.memory_space<vmem>>, vector<512x128xf32>
    tpu.vector_store %arg7[%swap3A_515, %swap3A_516], %add3A_514 {strides = array<i32>} : memref<8192x128xf32, #tpu.memory_space<vmem>>, vector<512x128xf32>,
    %get3A_518 = arith.constant 0 : index
    %get3A_519 = arith.constant 0 : index
    %get3A_520 = arith.constant 14 : index
    %get3A_521 = vector.load %arg2[%get3A_518, %get3A_519, %get3A_520] : memref<1x512x16xf32, #tpu.memory_space<vmem>>, vector<1x512x1xf32>
    %get3A_522 = vector.shape_cast %get3A_521 : vector<1x512x1xf32> to vector<512xf32>
    %broadcast_in_dim3A_523 = vector.shape_cast %get3A_522 : vector<512xf32> to vector<512x1xf32>
    %get3A_524 = arith.constant 7168 : index
    %get3A_525 = arith.constant 0 : index
    %get3A_526 = vector.load %arg1[%get3A_524, %get3A_525] : memref<8192x128xf32, #tpu.memory_space<vmem>>, vector<512x128xf32>
    %add3A_527 = arith.addf %get3A_526, %get3A_1 : vector<512x128xf32>
    %add3A_528 = vector.broadcast %broadcast_in_dim3A : vector<1x128xf32> to vector<512x128xf32>
    %add3A_529 = arith.addf %add3A_527, %add3A_528 : vector<512x128xf32>
    %mul3A_530 = vector.broadcast %broadcast_in_dim3A_523 : vector<512x1xf32> to vector<512x128xf32>
    %mul3A_531 = vector.broadcast %sub3A : vector<1x128xf32> to vector<512x128xf32>
    %mul3A_532 = arith.mulf %mul3A_530, %mul3A_531 : vector<512x128xf32>
    %add3A_533 = arith.addf %add3A_529, %mul3A_532 : vector<512x128xf32>
    %dot_general3A_534 = arith.constant dense<0.000000e+00> : vector<512x128xf32>
    %dot_general3A_535 = tpu.matmul %add3A_533, %broadcast_in_dim3A_18, %dot_general3A_534 {dimension_numbers = #tpu.dot_dimension_numbers<[1], [0], [0], [1], [0, 0, 1, 1], [], []>, transpose_lhs_hint = false} : vector<512x128xf32>, vector<128x128xf32>, vector<512x128xf32> -> vector<512x128xf32>
    %mul3A_536 = arith.mulf %add3A_533, %add3A_533 : vector<512x128xf32>
    %dot_general3A_537 = arith.constant dense<0.000000e+00> : vector<512x128xf32>
    %dot_general3A_538 = tpu.matmul %mul3A_536, %broadcast_in_dim3A_18, %dot_general3A_537 {dimension_numbers = #tpu.dot_dimension_numbers<[1], [0], [0], [1], [0, 0, 1, 1], [], []>, transpose_lhs_hint = false} : vector<512x128xf32>, vector<128x128xf32>, vector<512x128xf32> -> vector<512x128xf32>
    %mul3A_539 = arith.mulf %dot_general3A_535, %dot_general3A_535 : vector<512x128xf32>
    %sub3A_540 = arith.subf %dot_general3A_538, %mul3A_539 : vector<512x128xf32>
    %sub3A_541 = arith.subf %add3A_533, %dot_general3A_535 : vector<512x128xf32>
    %add3A_542 = arith.constant 9.99999996E-13 : f32
    %add3A_543 = vector.broadcast %add3A_542 : f32 to vector<512x128xf32>
    %add3A_544 = arith.addf %sub3A_540, %add3A_543 : vector<512x128xf32>
    %rsqrt3A_545 = math.rsqrt %add3A_544 : vector<512x128xf32>
    %mul3A_546 = arith.mulf %sub3A_541, %rsqrt3A_545 : vector<512x128xf32>
    %mul3A_547 = vector.broadcast %get3A_13 : vector<1x128xf32> to vector<512x128xf32>
    %mul3A_548 = arith.mulf %mul3A_546, %mul3A_547 : vector<512x128xf32>
    %add3A_549 = vector.broadcast %get3A_16 : vector<1x128xf32> to vector<512x128xf32>
    %add3A_550 = arith.addf %mul3A_548, %add3A_549 : vector<512x128xf32>
    %swap3A_551 = arith.constant 7168 : index
    %swap3A_552 = arith.constant 0 : index
    %swap3A_553 = vector.load %arg7[%swap3A_551, %swap3A_552] : memref<8192x128xf32, #tpu.memory_space<vmem>>, vector<512x128xf32>
    tpu.vector_store %arg7[%swap3A_551, %swap3A_552], %add3A_550 {strides = array<i32>} : memref<8192x128xf32, #tpu.memory_space<vmem>>, vector<512x128xf32>,
    %get3A_554 = arith.constant 0 : index
    %get3A_555 = arith.constant 0 : index
    %get3A_556 = arith.constant 15 : index
    %get3A_557 = vector.load %arg2[%get3A_554, %get3A_555, %get3A_556] : memref<1x512x16xf32, #tpu.memory_space<vmem>>, vector<1x512x1xf32>
    %get3A_558 = vector.shape_cast %get3A_557 : vector<1x512x1xf32> to vector<512xf32>
    %broadcast_in_dim3A_559 = vector.shape_cast %get3A_558 : vector<512xf32> to vector<512x1xf32>
    %get3A_560 = arith.constant 7680 : index
    %get3A_561 = arith.constant 0 : index
    %get3A_562 = vector.load %arg1[%get3A_560, %get3A_561] : memref<8192x128xf32, #tpu.memory_space<vmem>>, vector<512x128xf32>
    %add3A_563 = arith.addf %get3A_562, %get3A_1 : vector<512x128xf32>
    %add3A_564 = vector.broadcast %broadcast_in_dim3A : vector<1x128xf32> to vector<512x128xf32>
    %add3A_565 = arith.addf %add3A_563, %add3A_564 : vector<512x128xf32>
    %mul3A_566 = vector.broadcast %broadcast_in_dim3A_559 : vector<512x1xf32> to vector<512x128xf32>
    %mul3A_567 = vector.broadcast %sub3A : vector<1x128xf32> to vector<512x128xf32>
    %mul3A_568 = arith.mulf %mul3A_566, %mul3A_567 : vector<512x128xf32>
    %add3A_569 = arith.addf %add3A_565, %mul3A_568 : vector<512x128xf32>
    %dot_general3A_570 = arith.constant dense<0.000000e+00> : vector<512x128xf32>
    %dot_general3A_571 = tpu.matmul %add3A_569, %broadcast_in_dim3A_18, %dot_general3A_570 {dimension_numbers = #tpu.dot_dimension_numbers<[1], [0], [0], [1], [0, 0, 1, 1], [], []>, transpose_lhs_hint = false} : vector<512x128xf32>, vector<128x128xf32>, vector<512x128xf32> -> vector<512x128xf32>
    %mul3A_572 = arith.mulf %add3A_569, %add3A_569 : vector<512x128xf32>
    %dot_general3A_573 = arith.constant dense<0.000000e+00> : vector<512x128xf32>
    %dot_general3A_574 = tpu.matmul %mul3A_572, %broadcast_in_dim3A_18, %dot_general3A_573 {dimension_numbers = #tpu.dot_dimension_numbers<[1], [0], [0], [1], [0, 0, 1, 1], [], []>, transpose_lhs_hint = false} : vector<512x128xf32>, vector<128x128xf32>, vector<512x128xf32> -> vector<512x128xf32>
    %mul3A_575 = arith.mulf %dot_general3A_571, %dot_general3A_571 : vector<512x128xf32>
    %sub3A_576 = arith.subf %dot_general3A_574, %mul3A_575 : vector<512x128xf32>
    %sub3A_577 = arith.subf %add3A_569, %dot_general3A_571 : vector<512x128xf32>
    %add3A_578 = arith.constant 9.99999996E-13 : f32
    %add3A_579 = vector.broadcast %add3A_578 : f32 to vector<512x128xf32>
    %add3A_580 = arith.addf %sub3A_576, %add3A_579 : vector<512x128xf32>
    %rsqrt3A_581 = math.rsqrt %add3A_580 : vector<512x128xf32>
    %mul3A_582 = arith.mulf %sub3A_577, %rsqrt3A_581 : vector<512x128xf32>
    %mul3A_583 = vector.broadcast %get3A_13 : vector<1x128xf32> to vector<512x128xf32>
    %mul3A_584 = arith.mulf %mul3A_582, %mul3A_583 : vector<512x128xf32>
    %add3A_585 = vector.broadcast %get3A_16 : vector<1x128xf32> to vector<512x128xf32>
    %add3A_586 = arith.addf %mul3A_584, %add3A_585 : vector<512x128xf32>
    %swap3A_587 = arith.constant 7680 : index
    %swap3A_588 = arith.constant 0 : index
    %swap3A_589 = vector.load %arg7[%swap3A_587, %swap3A_588] : memref<8192x128xf32, #tpu.memory_space<vmem>>, vector<512x128xf32>
    tpu.vector_store %arg7[%swap3A_587, %swap3A_588], %add3A_586 {strides = array<i32>} : memref<8192x128xf32, #tpu.memory_space<vmem>>, vector<512x128xf32>,
    return
  }
  func.func @transform_0(%arg0: i32) -> (i32, i32) {
    %c0_i32 = arith.constant 0 : i32
    %c0_i32_0 = arith.constant 0 : i32
    return %arg0, %c0_i32 : i32, i32
  }
  func.func @transform_1(%arg0: i32) -> (i32, i32, i32) {
    %c0_i32 = arith.constant 0 : i32
    %c0_i32_0 = arith.constant 0 : i32
    %c0_i32_1 = arith.constant 0 : i32
    return %arg0, %c0_i32, %c0_i32_0 : i32, i32, i32
  }
  func.func @transform_2(%arg0: i32) -> (i32, i32) {
    %c0_i32 = arith.constant 0 : i32
    %c0_i32_0 = arith.constant 0 : i32
    %c0_i32_1 = arith.constant 0 : i32
    return %c0_i32, %c0_i32_0 : i32, i32
  }
  func.func @transform_3(%arg0: i32) -> (i32, i32) {
    %c0_i32 = arith.constant 0 : i32
    %c0_i32_0 = arith.constant 0 : i32
    %c0_i32_1 = arith.constant 0 : i32
    return %c0_i32, %c0_i32_0 : i32, i32
  }
  func.func @transform_4(%arg0: i32) -> (i32, i32) {
    %c0_i32 = arith.constant 0 : i32
    %c0_i32_0 = arith.constant 0 : i32
    %c0_i32_1 = arith.constant 0 : i32
    return %c0_i32, %c0_i32_0 : i32, i32
  }
  func.func @transform_5(%arg0: i32) -> (i32, i32) {
    %c0_i32 = arith.constant 0 : i32
    %c0_i32_0 = arith.constant 0 : i32
    %c0_i32_1 = arith.constant 0 : i32
    return %c0_i32, %c0_i32_0 : i32, i32
  }
  func.func @transform_6(%arg0: i32) -> (i32, i32) {
    %add3A = arith.constant 0 : i32
    %add3A_0 = arith.addi %arg0, %add3A : i32
    %c0_i32 = arith.constant 0 : i32
    %c0_i32_1 = arith.constant 0 : i32
    return %add3A_0, %c0_i32 : i32, i32
  }
}

</mosaic_0001>

<sc_bundles>
// kernel: _bert_embed.6.cloned.1.call-start
scs
__scs_entry_jumppad:
0x0: {  	(pc) =	sbr.rel $0x88, $3  }
0x1: {  	(tag) =	ssettag $0x0;
	lr =	simm.s32 $0x1  }
0x2: {  	[smem:$0x3F9A] =	sst lr;
	_ =	strace $0xD0000000  }
0x3: {  	_ = 	snop  }
0x4: {  	_ = 	snop  }
0x5: {  	_ = 	snop  }
0x6: {  	_ = 	snop  }
0x7: {  	_ = 	snop  }
__scs_overlays_trampoline_lowered:
0x8: {  	[smem:$0x3FA9] =	sst s0  }
0x9: {  	[smem:$0x3FAA] =	sst s1  }
0xa: {  	[smem:$0x3FAB] =	sst s2  }
0xb: {  	[smem:$0x3FAC] =	sst s3  }
0xc: {  	[smem:$0x3FAD] =	sst s4  }
0xd: {  	[smem:$0x3FAE] =	sst s5  }
0xe: {  	[smem:$0x3FAF] =	sst s6  }
0xf: {  	[smem:$0x3FB0] =	sst s7  }
0x10: {  	[smem:$0x3FB1] =	sst s8  }
0x11: {  	[smem:$0x3FB2] =	sst s9;
	s0 =	simm.s32 @!p0 $0x0  }
0x12: {  	s1 =	sld [smem:$0x3F98];
	s0 =	simm.s32 @p0 $0x1  }
0x13: {  	[smem:$0x3FB3] =	sst s0;
	s0 =	simm.s32 @!p1 $0x0  }
0x14: {  	s2 =	sld [smem:$0x3F97];
	s0 =	simm.s32 @p1 $0x1  }
0x15: {  	[smem:$0x3FB4] =	sst s0;
	s0 =	simm.s32 @!p2 $0x0  }
0x16: {  	s3 =	sld [smem:$0x3FDB];
	s0 =	simm.s32 @p2 $0x1  }
0x17: {  	s4 =	simm.s32 $0x1BF5;
	[smem:$0x3FB6] =	sst s0  }
0x18: {  	s0 =	sld [smem:$0x3F99];
	_ =	swait.ge [sflag:s4], $0x0  }
0x19: {  	s7 =	sld [smem:$0x3F9A]  }
0x1a: {  	s8 =	sadd.s32 $0xFFFFE003, lr  }
0x1b: {  	s9 =	sadd.s32 $0xFFFFFEF7, lr;
	s5 =	simm.s32 $0xFFFFFFFF;
	p2 =	slt.u32 s8, $0xFFFFF086  }
0x1c: {  	p1 =	slt.u32 s9, $0xF7A;
	s5 =	simm.s32 @!p2 $0x0  }
0x1d: {  	s5 =	simm.s32 @p1 $0x1;
	p0 =	seq.s32 s7, s2  }
0x1e: {  	s7 =	smul.u32 @!p0 $0xF7A, s2;
	p2 =	seq.s32 @!p0 s5, $0x0  }
0x1f: {  	s9 =	smul.u32 $0xF7A, s1;
	s8 =	simm.s32 @!p0 $0x1BF5;
	p2 =	por !p2, p0  }
0x20: {  	[sflag:s8] =	ssyncset.s32 @!p0 $0xFFFFF086;
	s6 =	sadd.s32 @!p0 s3, s7;
	s7 =	simm.s32 @!p0 $0x108  }
0x21: {  	s3 =	sadd.s32 s3, s9;
	s6 =	sadd.s32 @!p0 $0x88, s6;
	s7 =	simm.s32 @p2 $0x1082  }
0x22: {  	[simem:s7], [sflag:s8] =	dma.local @!p0 [hbm:s6], $0xF7A  }
0x23: {  	s9 =	sor.u32 $0xD0000000, s2;
	s6 =	simm.s32 $0x108;
	_ =	swait.ge @!p0 [sflag:s8], $0x0  }
0x24: {  	s3 =	sadd.s32 $0x88, s3;
	s6 =	simm.s32 @!p1 $0x1082;
	[sflag:s4] =	ssyncset.s32 $0xFFFFF086  }
0x25: {  	[simem:s6], [sflag:s4] =	dma.local [hbm:s3], $0xF7A  }
0x26: {  	[smem:$0x3F9A] =	sst s1;
	(tag) =	ssettag s2;
	_ =	strace s9  }
0x27: {  	s1 =	sld [smem:$0x3FAA]  }
0x28: {  	s2 =	sld [smem:$0x3FAB]  }
0x29: {  	s4 =	sld [smem:$0x3FAD]  }
0x2a: {  	p0 =	seq.s32 s5, $0x0;
	s5 =	sld [smem:$0x3FAE]  }
0x2b: {  	s6 =	sld [smem:$0x3FAF]  }
0x2c: {  	s7 =	sld [smem:$0x3FB0]  }
0x2d: {  	s3 =	simm.s32 $0x108;
	s8 =	sld [smem:$0x3FB1]  }
0x2e: {  	s3 =	simm.s32 @!p0 $0x1082;
	s9 =	sld [smem:$0x3FB2]  }
0x2f: {  	lr =	sadd.s32 s0, s3;
	s0 =	sld [smem:$0x3FA9]  }
0x30: {  	s3 =	sld [smem:$0x3FAC]  }
0x31: {  	[smem:$0x3FB5] =	sst s10  }
0x32: {  	s10 =	sld [smem:$0x3FB3];
	_ =	sdelay $0x3  }
0x33: {  	p0 =	seq.s32 s10, $0x1;
	s10 =	sld [smem:$0x3FB5];
	_ =	sdelay $0x3  }
0x34: {  	[smem:$0x3FB5] =	sst s10  }
0x35: {  	s10 =	sld [smem:$0x3FB4];
	_ =	sdelay $0x3  }
0x36: {  	p1 =	seq.s32 s10, $0x1;
	s10 =	sld [smem:$0x3FB5];
	_ =	sdelay $0x3  }
0x37: {  	[smem:$0x3FB5] =	sst s10  }
0x38: {  	s10 =	sld [smem:$0x3FB6]  }
0x39: {  	_ = 	snop;
	(pc) =	sbr.ind lr, $3  }
0x3a: {  	_ = 	snop  }
0x3b: {  	_ = 	snop  }
0x3c: {  	p2 =	seq.s32 s10, $0x1;
	s10 =	sld [smem:$0x3FB5]  }
0x3d: {  	_ =	shalt  }
0x3e: {  	_ =	shalt  }
0x3f: {  	_ =	shalt  }
0x40: {  	_ =	shalt  }
0x41: {  	_ =	shalt  }
0x42: {  	_ =	shalt  }
0x43: {  	_ =	shalt  }
0x44: {  	_ =	shalt  }
0x45: {  	_ =	shalt  }
0x46: {  	_ =	shalt  }
0x47: {  	_ =	shalt  }
0x48: {  	_ =	shalt  }
0x49: {  	_ =	shalt  }
0x4a: {  	_ =	shalt  }
0x4b: {  	_ =	shalt  }
0x4c: {  	_ =	shalt  }
0x4d: {  	_ =	shalt  }
0x4e: {  	_ =	shalt  }
0x4f: {  	_ =	shalt  }
0x50: {  	_ =	shalt  }
0x51: {  	_ =	shalt  }
0x52: {  	_ =	shalt  }
0x53: {  	_ =	shalt  }
0x54: {  	_ =	shalt  }
0x55: {  	_ =	shalt  }
0x56: {  	_ =	shalt  }
0x57: {  	_ =	shalt  }
0x58: {  	_ =	shalt  }
0x59: {  	_ =	shalt  }
0x5a: {  	_ =	shalt  }
0x5b: {  	_ =	shalt  }
0x5c: {  	_ =	shalt  }
0x5d: {  	_ =	shalt  }
0x5e: {  	_ =	shalt  }
0x5f: {  	_ =	shalt  }
0x60: {  	_ =	shalt  }
0x61: {  	_ =	shalt  }
0x62: {  	_ =	shalt  }
0x63: {  	_ =	shalt  }
0x64: {  	_ =	shalt  }
0x65: {  	_ =	shalt  }
0x66: {  	_ =	shalt  }
0x67: {  	_ =	shalt  }
0x68: {  	_ =	shalt  }
0x69: {  	_ =	shalt  }
0x6a: {  	_ =	shalt  }
0x6b: {  	_ =	shalt  }
0x6c: {  	_ =	shalt  }
0x6d: {  	_ =	shalt  }
0x6e: {  	_ =	shalt  }
0x6f: {  	_ =	shalt  }
0x70: {  	_ =	shalt  }
0x71: {  	_ =	shalt  }
0x72: {  	_ =	shalt  }
0x73: {  	_ =	shalt  }
0x74: {  	_ =	shalt  }
0x75: {  	_ =	shalt  }
0x76: {  	_ =	shalt  }
0x77: {  	_ =	shalt  }
0x78: {  	_ =	shalt  }
0x79: {  	_ =	shalt  }
0x7a: {  	_ =	shalt  }
0x7b: {  	_ =	shalt  }
0x7c: {  	_ =	shalt  }
0x7d: {  	_ =	shalt  }
0x7e: {  	_ =	shalt  }
0x7f: {  	_ =	shalt  }
0x80: {  	_ =	shalt  }
0x81: {  	_ =	shalt  }
0x82: {  	_ =	shalt  }
0x83: {  	_ =	shalt  }
0x84: {  	_ =	shalt  }
0x85: {  	_ =	shalt  }
0x86: {  	_ =	shalt  }
0x87: {  	_ =	shalt  }
.Lfunc_end0:
.L_simem_size_0:
called_computation_lowered:
.L_overlay_start_0:
0x88: {  	s2 =	sld [smem:$0x3FD9]  }
0x89: {  	s3 =	sld [smem:$0x3FFE];
	_ =	sdelay $0x1  }
0x8a: {  	s1 =	srdreg.scid  }
0x8b: {  	s0 =	sand.u32 $0x1, s1  }
0x8c: {  	s17 =	sshll.u32 s0, $0xA;
	s2 =	sadd.s32 s3, s2  }
0x8d: {  	s2 =	sadd.s32 s2, s17  }
0x8e: {  	[smem:$0x3FC1] =	sst s2  }
0x8f: {  	_ = 	snop  }
0x90: {  	s2 =	sld [smem:$0x3FC7]  }
0x91: {  	s18 =	sld [smem:$0x3FD0];
	(tm) =	ssettm $0x1  }
0x92: {  	s4 =	sld [smem:$0x3FFB];
	_ =	sdelay $0x3  }
0x93: {  	_ =	strace s4  }
0x94: {  	s4 =	sld [smem:$0x3FFC];
	_ =	sdelay $0x3  }
0x95: {  	_ =	strace s4  }
0x96: {  	s4 =	sld [smem:$0x3FFD];
	_ =	sdelay $0x3  }
0x97: {  	_ =	strace s4  }
0x98: {  	_ =	strace $0x8FFFFFFF  }
0x99: {  	s19 =	sld [smem:$0x3FDB];
	_ =	sdelay $0x1  }
0x9a: {  	s5 =	simm.s32 $_scs_section_size  }
0x9b: {  	s6 =	simm.s32 $_size__tile_overlayer_lowered;
	s7 =	simm.s32 $_tile_overlayer_lowered  }
0x9c: {  	s22 =	simm.s32 $0x1BFF;
	s21 =	sshll.u32 s7, $0x1;
	s4 =	sadd.s32 s5, s19  }
0x9d: {  	s8 =	simm.s32 $0x0;
	s20 =	sshll.u32 s6, $0x1;
	s6 =	sadd.s32 s21, s4  }
0x9e: {  	[timem:s8], [sflag:s22] =	dma.local [hbm:s6], s20  }
0x9f: {  	_ =	swait.ge [sflag:s22], s20  }
0xa0: {  	s5 =	ssub.s32 $0x0, s20;
	[sflag:s22] =	ssyncset.done $0x0  }
0xa1: {  	[sflag:s22] =	ssyncadd.s32 s5;
	_ =	sdelay $0x1  }
0xa2: {  	s23 =	simm.s32 $0x1B8B  }
0xa3: {  	_ =	swait.ge [sflag:s23], $0x1  }
0xa4: {  	[sflag:s23] =	ssyncset.done $0x0  }
0xa5: {  	s25 =	simm.s32 $0x1B8E;
	s24 =	sld [smem:$0x3FFE];
	[sflag:s23] =	ssyncadd.s32 $0xFFFFFFFF  }
0xa6: {  	s26 =	simm.s32 $execute0_lowered;
	[smem:$0x3FD2] =	sst s25  }
0xa7: {  	s6 =	sshll.u32 s26, $0x1;
	_ =	strace $0x80000046;
	[dreg:$0x1] =	wrdreg $0xFFFFFFFF  }
0xa8: {  	s28 =	simm.s32 $_size_execute0_lowered;
	s4 =	sadd.s32 s4, s6;
	[dreg:$0x0] =	wrdreg $0x0  }
0xa9: {  	s6 =	sshll.u32 s28, $0x1;
	[dreg:$0x2] =	wrdreg s4  }
0xaa: {  	[dreg:$0x3] =	wrdreg s6  }
0xab: {  	[dreg:$0x4] =	wrdreg $0xC0  }
0xac: {  	_ =	task [dreg:s8], $0x5FFFF  }
0xad: {  	[dreg:$0x1] =	wrdreg $0xFFFFFFFF  }
0xae: {  	[dreg:$0x0] =	wrdreg $0x60  }
0xaf: {  	[dreg:$0x2] =	wrdreg s24  }
0xb0: {  	[dreg:$0x3] =	wrdreg s2  }
0xb1: {  	[dreg:$0x4] =	wrdreg s18  }
0xb2: {  	[dreg:$0x5] =	wrdreg $0x9  }
0xb3: {  	_ =	task.clear_ibuf [dreg:s8], $0x6FFFF;
	_ =	strace $0x90000046  }
0xb4: {  	s29 =	simm.s32 $0x9;
	_ =	strace $0x80000048  }
0xb5: {  	_ =	swait.ge [sflag:s29], $0x1  }
0xb6: {  	[sflag:s29] =	ssyncadd.s32 $0xFFFFFFFF  }
0xb7: {  	_ =	strace $0x90000048  }
0xb8: {  	_ =	sfence  }
0xb9: {  	s30 =	sld [smem:$0x0];
	_ =	sdelay $0x2  }
0xba: {  	s31 =	sshll.u32 s1, $0xD;
	s1 =	sshrl.u32 s1, $0x2  }
0xbb: {  	s3 =	sand.u32 $0x4000, s31;
	s1 =	sadd.s32 s1, s30  }
0xbc: {  	s0 =	sor.u32 s3, s0;
	s1 =	sshll.u32 s1, $0x11  }
0xbd: {  	s0 =	sor.u32 s1, s0  }
0xbe: {  	s0 =	sadd.s32 $0x8F2B, s0  }
0xbf: {  	[sflag:s0] =	ssyncadd.remote.s32 $0x1  }
0xc0: {  	_ =	sfence.sel $0xFFFF  }
0xc1: {  	[dreg:$0x0] =	wrdreg $0xFFFFFFFF;
	(pc) =	sbr.abs _section_cstart, $3  }
0xc2: {  	[dreg:$0x1] =	wrdreg $0xFFFFFFFF  }
0xc3: {  	_ =	task.clear_ibuf [dreg:s8], $0x2FFFF;
	_ =	strace $0x9FFFFFFF  }
0xc4: {  	(tm) =	ssettm $0x7FFFFFFF  }
0xc5: {  	_ =	shalt  }
tec
execute0_lowered:
.L_overlay_start_1:
0x0: {  	(tag) =	ssettag $0x1  }
0x1: {  	s1 =	srdreg.scid  }
0x2: {  	s4 =	rddreg [dreg:$0x0];
	s0 =	stileid.u32;
	s19 =	sand.u32 $0x1, s1  }
0x3: {  	s2 =	rddreg [dreg:$0x1];
	s5 =	sshll.u32 s0, $0xA;
	s6 =	sshll.u32 s19, $0x9  }
0x4: {  	s11 =	rddreg [dreg:$0x2];
	s3 =	simm.s32 $0x0;
	s12 =	sor.u32 s6, s5  }
0x5: {  	[smem:$0x7FF] =	sst s3;
	s5 =	sshrl.u32 s12, $0x3  }
0x6: {  	s1 =	rddreg [dreg:$0x3];
	_ =	strace $0x80000047;
	s4 =	sadd.s32 s5, s4  }
0x7: {  	s6 =	simm.s32 $0x5;
	s5 =	simm.s32 $0x8000;
	s4 =	sadd.s32 $0x1A00, s4  }
0x8: {  	[tilespmem:s5], [sflag:$0x5] =	stream.linear.gather [hbm4b:s4+s3], $0x200, $0x38;
	[tilespmem:$0x8200] =	vst v63  }
0x9: {  	_ =	swait.ge [sflag:s6], $0x200  }
0xa: {  	[sflag:s6] =	ssyncset.done $0x0  }
0xb: {  	s7 =	simm.s32 $0x80;
	[sflag:s6] =	ssyncadd.s32 $0xFFFFFE00  }
0xc: {  	[tilespmem:s3], [sflag:$0x1] =	stream.indirect.gather [hbm4b:s2+s7], $0x80, s5, s7, $0xb8;
	[tilespmem:$0x8200] =	vst v63  }
0xd: {  	s8 =	simm.s32 $0x8080;
	s9 =	simm.s32 $0x4000;
	s10 =	simm.s32 $0x1  }
0xe: {  	[tilespmem:s9], [sflag:$0x2] =	stream.indirect.gather [hbm4b:s2+s7], $0x80, s8, s7, $0xb8;
	[tilespmem:$0x8200] =	vst v63  }
0xf: {  	_ =	swait.ge [sflag:s10], $0x4000  }
0x10: {  	s12 =	sshll.u32 s12, $0x4;
	[sflag:s10] =	ssyncset.done $0x0  }
0x11: {  	s11 =	sadd.s32 s11, s12;
	s12 =	simm.s32 $0x3;
	[sflag:s10] =	ssyncadd.s32 $0xFFFFC000  }
0x12: {  	[hbm4b:s11+s3] =	stream.linear.scatter [tilespmem:s3], [sflag:$0x3], $0x4000, $0x38;
	[tilespmem:$0x8200] =	vst v63  }
0x13: {  	_ =	swait.ge [sflag:s12], $0x4000  }
0x14: {  	[sflag:s12] =	ssyncset.done $0x0  }
0x15: {  	s13 =	simm.s32 $0x8100;
	s14 =	simm.s32 $0x2;
	[sflag:s12] =	ssyncadd.s32 $0xFFFFC000  }
0x16: {  	[tilespmem:s3], [sflag:$0x1] =	stream.indirect.gather [hbm4b:s2+s7], $0x80, s13, s7, $0xb8;
	[tilespmem:$0x8200] =	vst v63  }
0x17: {  	_ =	swait.ge [sflag:s14], $0x4000  }
0x18: {  	[sflag:s14] =	ssyncset.done $0x0  }
0x19: {  	s15 =	simm.s32 $0x4;
	s16 =	sadd.s32 $0x800, s11;
	[sflag:s14] =	ssyncadd.s32 $0xFFFFC000  }
0x1a: {  	[hbm4b:s16+s3] =	stream.linear.scatter [tilespmem:s9], [sflag:$0x4], $0x4000, $0x38;
	[tilespmem:$0x8200] =	vst v63  }
0x1b: {  	_ =	swait.ge [sflag:s15], $0x4000  }
0x1c: {  	[sflag:s15] =	ssyncset.done $0x0  }
0x1d: {  	s17 =	simm.s32 $0x8180;
	[sflag:s15] =	ssyncadd.s32 $0xFFFFC000  }
0x1e: {  	[tilespmem:s9], [sflag:$0x2] =	stream.indirect.gather [hbm4b:s2+s7], $0x80, s17, s7, $0xb8;
	[tilespmem:$0x8200] =	vst v63  }
0x1f: {  	_ =	swait.ge [sflag:s10], $0x4000  }
0x20: {  	s20 =	ssub.s32 $0x2, s19;
	[sflag:s10] =	ssyncset.done $0x0  }
0x21: {  	s21 =	sshrl.u32 s20, $0x1;
	s18 =	sadd.s32 $0x1000, s11;
	[sflag:s10] =	ssyncadd.s32 $0xFFFFC000  }
0x22: {  	[hbm4b:s18+s3] =	stream.linear.scatter [tilespmem:s3], [sflag:$0x3], $0x4000, $0x38;
	[tilespmem:$0x8200] =	vst v63  }
0x23: {  	s20 =	ssub.s32 s20, s21;
	_ =	swait.ge [sflag:s14], $0x4000  }
0x24: {  	s20 =	smax.u32 s20, $0x1;
	[sflag:s14] =	ssyncset.done $0x0  }
0x25: {  	s19 =	sadd.s32 $0x1800, s11;
	p0 =	sne.s32 s20, $0x1;
	[sflag:s14] =	ssyncadd.s32 $0xFFFFC000  }
0x26: {  	[hbm4b:s19+s3] =	stream.linear.scatter [tilespmem:s9], [sflag:$0x4], $0x4000, $0x38;
	[tilespmem:$0x8200] =	vst v63  }
.Ltmp0:
0x27: {  	_ =	swait.ge [sflag:s12], $0x4000;
	(pc) =	sbr.rel @!p0 .LBB2_2-.Ltmp0, $4  }
0x28: {  	[sflag:s12] =	ssyncset.done $0x0  }
0x29: {  	[sflag:s12] =	ssyncadd.s32 $0xFFFFC000  }
0x2a: {  	_ =	swait.ge [sflag:s15], $0x4000  }
0x2b: {  	s20 =	sadd.s32 $0xFFFFFFFF, s20;
	[sflag:s15] =	ssyncset.done $0x0  }
.LBB2_1:
0x2c: {  	p0 =	sne.s32 s20, $0x1;
	s20 =	sadd.s32 $0xFFFFFFFF, s20;
	[sflag:s15] =	ssyncadd.s32 $0xFFFFC000  }
0x2d: {  	[tilespmem:s5], [sflag:$0x5] =	stream.linear.gather [hbm4b:s4+s3], $0x200, $0x38;
	[tilespmem:$0x8200] =	vst v63  }
0x2e: {  	_ =	swait.ge [sflag:s6], $0x200  }
0x2f: {  	[sflag:s6] =	ssyncset.done $0x0  }
0x30: {  	[sflag:s6] =	ssyncadd.s32 $0xFFFFFE00  }
0x31: {  	[tilespmem:s3], [sflag:$0x1] =	stream.indirect.gather [hbm4b:s2+s7], $0x80, s5, s7, $0xb8;
	[tilespmem:$0x8200] =	vst v63  }
0x32: {  	_ = 	snop  }
0x33: {  	[tilespmem:s9], [sflag:$0x2] =	stream.indirect.gather [hbm4b:s2+s7], $0x80, s8, s7, $0xb8;
	[tilespmem:$0x8200] =	vst v63  }
0x34: {  	_ =	swait.ge [sflag:s10], $0x4000  }
0x35: {  	[sflag:s10] =	ssyncset.done $0x0  }
0x36: {  	[sflag:s10] =	ssyncadd.s32 $0xFFFFC000  }
0x37: {  	[hbm4b:s11+s3] =	stream.linear.scatter [tilespmem:s3], [sflag:$0x3], $0x4000, $0x38;
	[tilespmem:$0x8200] =	vst v63  }
0x38: {  	_ =	swait.ge [sflag:s12], $0x4000  }
0x39: {  	[sflag:s12] =	ssyncset.done $0x0  }
0x3a: {  	[sflag:s12] =	ssyncadd.s32 $0xFFFFC000  }
0x3b: {  	[tilespmem:s3], [sflag:$0x1] =	stream.indirect.gather [hbm4b:s2+s7], $0x80, s13, s7, $0xb8;
	[tilespmem:$0x8200] =	vst v63  }
0x3c: {  	_ =	swait.ge [sflag:s14], $0x4000  }
0x3d: {  	[sflag:s14] =	ssyncset.done $0x0  }
0x3e: {  	[sflag:s14] =	ssyncadd.s32 $0xFFFFC000  }
0x3f: {  	[hbm4b:s16+s3] =	stream.linear.scatter [tilespmem:s9], [sflag:$0x4], $0x4000, $0x38;
	[tilespmem:$0x8200] =	vst v63  }
0x40: {  	_ =	swait.ge [sflag:s15], $0x4000  }
0x41: {  	[sflag:s15] =	ssyncset.done $0x0  }
0x42: {  	[sflag:s15] =	ssyncadd.s32 $0xFFFFC000  }
0x43: {  	[tilespmem:s9], [sflag:$0x2] =	stream.indirect.gather [hbm4b:s2+s7], $0x80, s17, s7, $0xb8;
	[tilespmem:$0x8200] =	vst v63  }
0x44: {  	_ =	swait.ge [sflag:s10], $0x4000  }
0x45: {  	[sflag:s10] =	ssyncset.done $0x0  }
0x46: {  	[sflag:s10] =	ssyncadd.s32 $0xFFFFC000  }
0x47: {  	[hbm4b:s18+s3] =	stream.linear.scatter [tilespmem:s3], [sflag:$0x3], $0x4000, $0x38;
	[tilespmem:$0x8200] =	vst v63  }
0x48: {  	_ =	swait.ge [sflag:s14], $0x4000  }
0x49: {  	[sflag:s14] =	ssyncset.done $0x0  }
0x4a: {  	[sflag:s14] =	ssyncadd.s32 $0xFFFFC000  }
0x4b: {  	[hbm4b:s19+s3] =	stream.linear.scatter [tilespmem:s9], [sflag:$0x4], $0x4000, $0x38;
	[tilespmem:$0x8200] =	vst v63  }
.Ltmp1:
0x4c: {  	_ =	swait.ge [sflag:s12], $0x4000;
	(pc) =	sbr.rel @p0 .LBB2_1-.Ltmp1, $4  }
0x4d: {  	[sflag:s12] =	ssyncset.done $0x0  }
0x4e: {  	[sflag:s12] =	ssyncadd.s32 $0xFFFFC000  }
0x4f: {  	_ =	swait.ge [sflag:s15], $0x4000  }
0x50: {  	[sflag:s15] =	ssyncset.done $0x0  }
.LBB2_2:
0x51: {  	[sflag:s15] =	ssyncadd.s32 $0xFFFFC000  }
0x52: {  	_ =	sfence.sel $0x180000  }
0x53: {  	[bflag:$0x0] =	sbarrier.arrive $0xFFFF  }
0x54: {  	p0 =	sne.s32 s0, $0x0;
	_ =	strace $0x90000047  }
0x55: {  	s0 =	sadd.s32 @!p0 $0x100000, s1;
	[bflag:$0x2] =	sbarrier.arrive $0xFFFF  }
0x56: {  	[sflag:s0] =	ssyncadd.tile.s32 @!p0 $0x1;
	_ =	shalt  }
.Lfunc_end2:
_tile_overlayer_lowered:
.L_overlay_start_2:
0x57: {  	(tag) =	ssettag $0x2  }
0x58: {  	s0 =	rddreg [dreg:$0x0];
	s2 =	stileid.u32  }
0x59: {  	s1 =	rddreg [dreg:$0x1];
	p0 =	sne.s32 s2, $0x0  }
0x5a: {  	s3 =	rddreg [dreg:$0x2];
	[bflag:$0x3] =	sbarrier.arrive $0xFFFF;
	s2 =	simm.s32 @!p0 $0x1C05  }
0x5b: {  	[timem:s3], [sflag:s2] =	dma.local @!p0 [hbm:s0], s1  }
0x5c: {  	s0 =	simm.s32 @!p0 $0x5  }
0x5d: {  	_ =	swait.ge @!p0 [sflag:s0], s1  }
0x5e: {  	s1 =	ssub.s32 @!p0 $0x0, s1;
	[sflag:s0] =	ssyncset.done @!p0 $0x0  }
0x5f: {  	[sflag:s0] =	ssyncadd.s32 @!p0 s1  }
0x60: {  	[bflag:$0x3] =	sbarrier.arrive $0xFFFF  }
0x61: {  	_ =	shalt  }

// kernel: _bert_embed.9.cloned.1.call-start
scs
__scs_entry_jumppad:
0x0: {  	(pc) =	sbr.rel $0x88, $3  }
0x1: {  	(tag) =	ssettag $0x0;
	lr =	simm.s32 $0x1  }
0x2: {  	[smem:$0x3F9A] =	sst lr;
	_ =	strace $0xD0000000  }
0x3: {  	_ = 	snop  }
0x4: {  	_ = 	snop  }
0x5: {  	_ = 	snop  }
0x6: {  	_ = 	snop  }
0x7: {  	_ = 	snop  }
__scs_overlays_trampoline_lowered:
0x8: {  	[smem:$0x3FA9] =	sst s0  }
0x9: {  	[smem:$0x3FAA] =	sst s1  }
0xa: {  	[smem:$0x3FAB] =	sst s2  }
0xb: {  	[smem:$0x3FAC] =	sst s3  }
0xc: {  	[smem:$0x3FAD] =	sst s4  }
0xd: {  	[smem:$0x3FAE] =	sst s5  }
0xe: {  	[smem:$0x3FAF] =	sst s6  }
0xf: {  	[smem:$0x3FB0] =	sst s7  }
0x10: {  	[smem:$0x3FB1] =	sst s8  }
0x11: {  	[smem:$0x3FB2] =	sst s9;
	s0 =	simm.s32 @!p0 $0x0  }
0x12: {  	s1 =	sld [smem:$0x3F98];
	s0 =	simm.s32 @p0 $0x1  }
0x13: {  	[smem:$0x3FB3] =	sst s0;
	s0 =	simm.s32 @!p1 $0x0  }
0x14: {  	s2 =	sld [smem:$0x3F97];
	s0 =	simm.s32 @p1 $0x1  }
0x15: {  	[smem:$0x3FB4] =	sst s0;
	s0 =	simm.s32 @!p2 $0x0  }
0x16: {  	s3 =	sld [smem:$0x3FDB];
	s0 =	simm.s32 @p2 $0x1  }
0x17: {  	s4 =	simm.s32 $0x1BF5;
	[smem:$0x3FB6] =	sst s0  }
0x18: {  	s0 =	sld [smem:$0x3F99];
	_ =	swait.ge [sflag:s4], $0x0  }
0x19: {  	s7 =	sld [smem:$0x3F9A]  }
0x1a: {  	s8 =	sadd.s32 $0xFFFFE003, lr  }
0x1b: {  	s9 =	sadd.s32 $0xFFFFFEF7, lr;
	s5 =	simm.s32 $0xFFFFFFFF;
	p2 =	slt.u32 s8, $0xFFFFF086  }
0x1c: {  	p1 =	slt.u32 s9, $0xF7A;
	s5 =	simm.s32 @!p2 $0x0  }
0x1d: {  	s5 =	simm.s32 @p1 $0x1;
	p0 =	seq.s32 s7, s2  }
0x1e: {  	s7 =	smul.u32 @!p0 $0xF7A, s2;
	p2 =	seq.s32 @!p0 s5, $0x0  }
0x1f: {  	s9 =	smul.u32 $0xF7A, s1;
	s8 =	simm.s32 @!p0 $0x1BF5;
	p2 =	por !p2, p0  }
0x20: {  	[sflag:s8] =	ssyncset.s32 @!p0 $0xFFFFF086;
	s6 =	sadd.s32 @!p0 s3, s7;
	s7 =	simm.s32 @!p0 $0x108  }
0x21: {  	s3 =	sadd.s32 s3, s9;
	s6 =	sadd.s32 @!p0 $0x88, s6;
	s7 =	simm.s32 @p2 $0x1082  }
0x22: {  	[simem:s7], [sflag:s8] =	dma.local @!p0 [hbm:s6], $0xF7A  }
0x23: {  	s9 =	sor.u32 $0xD0000000, s2;
	s6 =	simm.s32 $0x108;
	_ =	swait.ge @!p0 [sflag:s8], $0x0  }
0x24: {  	s3 =	sadd.s32 $0x88, s3;
	s6 =	simm.s32 @!p1 $0x1082;
	[sflag:s4] =	ssyncset.s32 $0xFFFFF086  }
0x25: {  	[simem:s6], [sflag:s4] =	dma.local [hbm:s3], $0xF7A  }
0x26: {  	[smem:$0x3F9A] =	sst s1;
	(tag) =	ssettag s2;
	_ =	strace s9  }
0x27: {  	s1 =	sld [smem:$0x3FAA]  }
0x28: {  	s2 =	sld [smem:$0x3FAB]  }
0x29: {  	s4 =	sld [smem:$0x3FAD]  }
0x2a: {  	p0 =	seq.s32 s5, $0x0;
	s5 =	sld [smem:$0x3FAE]  }
0x2b: {  	s6 =	sld [smem:$0x3FAF]  }
0x2c: {  	s7 =	sld [smem:$0x3FB0]  }
0x2d: {  	s3 =	simm.s32 $0x108;
	s8 =	sld [smem:$0x3FB1]  }
0x2e: {  	s3 =	simm.s32 @!p0 $0x1082;
	s9 =	sld [smem:$0x3FB2]  }
0x2f: {  	lr =	sadd.s32 s0, s3;
	s0 =	sld [smem:$0x3FA9]  }
0x30: {  	s3 =	sld [smem:$0x3FAC]  }
0x31: {  	[smem:$0x3FB5] =	sst s10  }
0x32: {  	s10 =	sld [smem:$0x3FB3];
	_ =	sdelay $0x3  }
0x33: {  	p0 =	seq.s32 s10, $0x1;
	s10 =	sld [smem:$0x3FB5];
	_ =	sdelay $0x3  }
0x34: {  	[smem:$0x3FB5] =	sst s10  }
0x35: {  	s10 =	sld [smem:$0x3FB4];
	_ =	sdelay $0x3  }
0x36: {  	p1 =	seq.s32 s10, $0x1;
	s10 =	sld [smem:$0x3FB5];
	_ =	sdelay $0x3  }
0x37: {  	[smem:$0x3FB5] =	sst s10  }
0x38: {  	s10 =	sld [smem:$0x3FB6]  }
0x39: {  	_ = 	snop;
	(pc) =	sbr.ind lr, $3  }
0x3a: {  	_ = 	snop  }
0x3b: {  	_ = 	snop  }
0x3c: {  	p2 =	seq.s32 s10, $0x1;
	s10 =	sld [smem:$0x3FB5]  }
0x3d: {  	_ =	shalt  }
0x3e: {  	_ =	shalt  }
0x3f: {  	_ =	shalt  }
0x40: {  	_ =	shalt  }
0x41: {  	_ =	shalt  }
0x42: {  	_ =	shalt  }
0x43: {  	_ =	shalt  }
0x44: {  	_ =	shalt  }
0x45: {  	_ =	shalt  }
0x46: {  	_ =	shalt  }
0x47: {  	_ =	shalt  }
0x48: {  	_ =	shalt  }
0x49: {  	_ =	shalt  }
0x4a: {  	_ =	shalt  }
0x4b: {  	_ =	shalt  }
0x4c: {  	_ =	shalt  }
0x4d: {  	_ =	shalt  }
0x4e: {  	_ =	shalt  }
0x4f: {  	_ =	shalt  }
0x50: {  	_ =	shalt  }
0x51: {  	_ =	shalt  }
0x52: {  	_ =	shalt  }
0x53: {  	_ =	shalt  }
0x54: {  	_ =	shalt  }
0x55: {  	_ =	shalt  }
0x56: {  	_ =	shalt  }
0x57: {  	_ =	shalt  }
0x58: {  	_ =	shalt  }
0x59: {  	_ =	shalt  }
0x5a: {  	_ =	shalt  }
0x5b: {  	_ =	shalt  }
0x5c: {  	_ =	shalt  }
0x5d: {  	_ =	shalt  }
0x5e: {  	_ =	shalt  }
0x5f: {  	_ =	shalt  }
0x60: {  	_ =	shalt  }
0x61: {  	_ =	shalt  }
0x62: {  	_ =	shalt  }
0x63: {  	_ =	shalt  }
0x64: {  	_ =	shalt  }
0x65: {  	_ =	shalt  }
0x66: {  	_ =	shalt  }
0x67: {  	_ =	shalt  }
0x68: {  	_ =	shalt  }
0x69: {  	_ =	shalt  }
0x6a: {  	_ =	shalt  }
0x6b: {  	_ =	shalt  }
0x6c: {  	_ =	shalt  }
0x6d: {  	_ =	shalt  }
0x6e: {  	_ =	shalt  }
0x6f: {  	_ =	shalt  }
0x70: {  	_ =	shalt  }
0x71: {  	_ =	shalt  }
0x72: {  	_ =	shalt  }
0x73: {  	_ =	shalt  }
0x74: {  	_ =	shalt  }
0x75: {  	_ =	shalt  }
0x76: {  	_ =	shalt  }
0x77: {  	_ =	shalt  }
0x78: {  	_ =	shalt  }
0x79: {  	_ =	shalt  }
0x7a: {  	_ =	shalt  }
0x7b: {  	_ =	shalt  }
0x7c: {  	_ =	shalt  }
0x7d: {  	_ =	shalt  }
0x7e: {  	_ =	shalt  }
0x7f: {  	_ =	shalt  }
0x80: {  	_ =	shalt  }
0x81: {  	_ =	shalt  }
0x82: {  	_ =	shalt  }
0x83: {  	_ =	shalt  }
0x84: {  	_ =	shalt  }
0x85: {  	_ =	shalt  }
0x86: {  	_ =	shalt  }
0x87: {  	_ =	shalt  }
.Lfunc_end0:
.L_simem_size_0:
called_computation.1_lowered:
.L_overlay_start_0:
0x88: {  	s2 =	sld [smem:$0x3FD9]  }
0x89: {  	s3 =	sld [smem:$0x3FFE];
	_ =	sdelay $0x1  }
0x8a: {  	s1 =	srdreg.scid  }
0x8b: {  	s0 =	sand.u32 $0x1, s1  }
0x8c: {  	s17 =	sshll.u32 s0, $0xA;
	s2 =	sadd.s32 s3, s2  }
0x8d: {  	s2 =	sadd.s32 s2, s17  }
0x8e: {  	[smem:$0x3FC1] =	sst s2  }
0x8f: {  	_ = 	snop  }
0x90: {  	s18 =	sld [smem:$0x3FC7];
	(tm) =	ssettm $0x1  }
0x91: {  	s19 =	sld [smem:$0x3FFB];
	_ =	sdelay $0x3  }
0x92: {  	_ =	strace s19  }
0x93: {  	s2 =	sld [smem:$0x3FFC];
	_ =	sdelay $0x3  }
0x94: {  	_ =	strace s2  }
0x95: {  	s2 =	sld [smem:$0x3FFD];
	_ =	sdelay $0x3  }
0x96: {  	_ =	strace s2  }
0x97: {  	_ =	strace $0x8FFFFFFF  }
0x98: {  	s20 =	sld [smem:$0x3FDB];
	_ =	sdelay $0x1  }
0x99: {  	s4 =	simm.s32 $_scs_section_size  }
0x9a: {  	s5 =	simm.s32 $_size__tile_overlayer_lowered;
	s6 =	simm.s32 $_tile_overlayer_lowered  }
0x9b: {  	s7 =	simm.s32 $0x1BFF;
	s21 =	sshll.u32 s6, $0x1;
	s4 =	sadd.s32 s4, s20  }
0x9c: {  	s22 =	simm.s32 $0x0;
	s5 =	sshll.u32 s5, $0x1;
	s6 =	sadd.s32 s21, s4  }
0x9d: {  	[timem:s22], [sflag:s7] =	dma.local [hbm:s6], s5  }
0x9e: {  	_ =	swait.ge [sflag:s7], s5  }
0x9f: {  	s5 =	ssub.s32 $0x0, s5;
	[sflag:s7] =	ssyncset.done $0x0  }
0xa0: {  	[sflag:s7] =	ssyncadd.s32 s5;
	_ =	sdelay $0x1  }
0xa1: {  	s23 =	simm.s32 $0x1B8B  }
0xa2: {  	_ =	swait.ge [sflag:s23], $0x1  }
0xa3: {  	[sflag:s23] =	ssyncset.done $0x0  }
0xa4: {  	[sflag:s23] =	ssyncadd.s32 $0xFFFFFFFF  }
0xa5: {  	s5 =	sld [smem:$0x0]  }
0xa6: {  	s6 =	sand.u32 $0xFFFFFFFE, s1  }
0xa7: {  	p0 =	sne.s32 s1, s6  }
0xa8: {  	s6 =	sshll.u32 @p0 s6, $0xE  }
0xa9: {  	s6 =	sadd.s32 @p0 $0x11B8D, s6;
	s7 =	sshll.u32 @p0 s5, $0x11  }
0xaa: {  	s6 =	sor.u32 @p0 s7, s6  }
0xab: {  	[sflag:s6] =	ssyncadd.remote.s32 @p0 $0x1;
	_ =	sdelay $0x1  }
0xac: {  	s6 =	simm.s32 @p0 $0x1B8D  }
0xad: {  	_ =	swait.eq @p0 [sflag:s6], $0x1  }
0xae: {  	[sflag:s6] =	ssyncadd.s32 @p0 $0xFFFFFFFF  }
0xaf: {  	s7 =	sshll.u32 @!p0 s1, $0xE  }
0xb0: {  	s7 =	sor.u32 @!p0 $0x4000, s7;
	s6 =	simm.s32 @!p0 $0x1B8D  }
0xb1: {  	s5 =	sshll.u32 @!p0 s5, $0x11;
	s7 =	sadd.s32 @!p0 $0x11B8D, s7;
	_ =	swait.eq @!p0 [sflag:s6], $0x1  }
0xb2: {  	s5 =	sor.u32 @!p0 s5, s7;
	[sflag:s6] =	ssyncadd.s32 @!p0 $0xFFFFFFFF  }
0xb3: {  	s25 =	simm.s32 $0x1B8E;
	s24 =	sld [smem:$0x3FFE];
	[sflag:s5] =	ssyncadd.remote.s32 @!p0 $0x1  }
0xb4: {  	s26 =	simm.s32 $execute0_lowered;
	[smem:$0x3FD2] =	sst s25  }
0xb5: {  	s6 =	sshll.u32 s26, $0x1;
	_ =	strace $0x80000049;
	[dreg:$0x1] =	wrdreg $0xFFFFFFFF  }
0xb6: {  	s28 =	simm.s32 $_size_execute0_lowered;
	s4 =	sadd.s32 s4, s6;
	[dreg:$0x0] =	wrdreg $0x0  }
0xb7: {  	s6 =	sshll.u32 s28, $0x1;
	[dreg:$0x2] =	wrdreg s4  }
0xb8: {  	[dreg:$0x3] =	wrdreg s6  }
0xb9: {  	[dreg:$0x4] =	wrdreg $0xC0  }
0xba: {  	_ =	task [dreg:s22], $0x5FFFF  }
0xbb: {  	[dreg:$0x1] =	wrdreg $0xFFFFFFFF  }
0xbc: {  	[dreg:$0x0] =	wrdreg $0x60  }
0xbd: {  	[dreg:$0x2] =	wrdreg s24  }
0xbe: {  	[dreg:$0x3] =	wrdreg s18  }
0xbf: {  	[dreg:$0x4] =	wrdreg $0xA  }
0xc0: {  	_ =	task.clear_ibuf [dreg:s22], $0x5FFFF;
	_ =	strace $0x90000049  }
0xc1: {  	s29 =	simm.s32 $0xA;
	_ =	strace $0x8000004B  }
0xc2: {  	_ =	swait.ge [sflag:s29], $0x1  }
0xc3: {  	[sflag:s29] =	ssyncadd.s32 $0xFFFFFFFF  }
0xc4: {  	_ =	strace $0x9000004B  }
0xc5: {  	_ =	sfence  }
0xc6: {  	s30 =	sld [smem:$0x0];
	_ =	sdelay $0x2  }
0xc7: {  	s31 =	sshll.u32 s1, $0xD;
	s1 =	sshrl.u32 s1, $0x2  }
0xc8: {  	s4 =	sand.u32 $0x4000, s31;
	s1 =	sadd.s32 s1, s30  }
0xc9: {  	s0 =	sor.u32 s4, s0;
	s1 =	sshll.u32 s1, $0x11  }
0xca: {  	s0 =	sor.u32 s1, s0  }
0xcb: {  	s0 =	sadd.s32 $0x8F2B, s0  }
0xcc: {  	[sflag:s0] =	ssyncadd.remote.s32 $0x1  }
0xcd: {  	_ =	sfence.sel $0xFFFF  }
0xce: {  	[dreg:$0x0] =	wrdreg $0xFFFFFFFF;
	(pc) =	sbr.abs _section_cstart, $3  }
0xcf: {  	[dreg:$0x1] =	wrdreg $0xFFFFFFFF  }
0xd0: {  	_ =	task.clear_ibuf [dreg:s22], $0x2FFFF;
	_ =	strace $0x9FFFFFFF  }
0xd1: {  	(tm) =	ssettm $0x7FFFFFFF  }
tec
execute0_lowered:
.L_overlay_start_1:
0x0: {  	(tag) =	ssettag $0x1  }
0x1: {  	s1 =	srdreg.scid  }
0x2: {  	s0 =	stileid.u32;
	s19 =	sand.u32 $0x1, s1  }
0x3: {  	s11 =	rddreg [dreg:$0x0];
	s4 =	sshll.u32 s0, $0xA;
	s5 =	sshll.u32 s19, $0x9  }
0x4: {  	s2 =	rddreg [dreg:$0x1];
	s12 =	sor.u32 s5, s4  }
0x5: {  	s3 =	simm.s32 $0x0;
	s1 =	rddreg [dreg:$0x2];
	s4 =	sshrl.u32 s12, $0x3  }
0x6: {  	s6 =	simm.s32 $0x5;
	[smem:$0x7FF] =	sst s3;
	s4 =	sadd.s32 s4, s11  }
0x7: {  	_ =	strace $0x8000004A;
	s5 =	simm.s32 $0x8000;
	s4 =	sadd.s32 $0x2200, s4  }
0x8: {  	[tilespmem:s5], [sflag:$0x5] =	stream.linear.gather [hbm4b:s4+s3], $0x200, $0x38;
	[tilespmem:$0x8200] =	vst v63  }
0x9: {  	_ =	swait.ge [sflag:s6], $0x200  }
0xa: {  	[sflag:s6] =	ssyncset.done $0x0  }
0xb: {  	s7 =	simm.s32 $0x80;
	[sflag:s6] =	ssyncadd.s32 $0xFFFFFE00  }
0xc: {  	[tilespmem:s3], [sflag:$0x1] =	stream.indirect.gather [hbm4b:s2+s7], $0x80, s5, s7, $0xb8;
	[tilespmem:$0x8200] =	vst v63  }
0xd: {  	s8 =	simm.s32 $0x8080;
	s9 =	simm.s32 $0x4000;
	s10 =	simm.s32 $0x1  }
0xe: {  	[tilespmem:s9], [sflag:$0x2] =	stream.indirect.gather [hbm4b:s2+s7], $0x80, s8, s7, $0xb8;
	[tilespmem:$0x8200] =	vst v63  }
0xf: {  	s12 =	sshll.u32 s12, $0x4;
	_ =	swait.ge [sflag:s10], $0x4000  }
0x10: {  	s20 =	sadd.s32 s12, s11;
	[sflag:s10] =	ssyncset.done $0x0  }
0x11: {  	s12 =	simm.s32 $0x3;
	s11 =	sadd.s32 $0x2A00, s20;
	[sflag:s10] =	ssyncadd.s32 $0xFFFFC000  }
0x12: {  	[hbm4b:s11+s3] =	stream.linear.scatter [tilespmem:s3], [sflag:$0x3], $0x4000, $0x38;
	[tilespmem:$0x8200] =	vst v63  }
0x13: {  	_ =	swait.ge [sflag:s12], $0x4000  }
0x14: {  	[sflag:s12] =	ssyncset.done $0x0  }
0x15: {  	s13 =	simm.s32 $0x8100;
	s14 =	simm.s32 $0x2;
	[sflag:s12] =	ssyncadd.s32 $0xFFFFC000  }
0x16: {  	[tilespmem:s3], [sflag:$0x1] =	stream.indirect.gather [hbm4b:s2+s7], $0x80, s13, s7, $0xb8;
	[tilespmem:$0x8200] =	vst v63  }
0x17: {  	_ =	swait.ge [sflag:s14], $0x4000  }
0x18: {  	[sflag:s14] =	ssyncset.done $0x0  }
0x19: {  	s15 =	simm.s32 $0x4;
	s16 =	sadd.s32 $0x3200, s20;
	[sflag:s14] =	ssyncadd.s32 $0xFFFFC000  }
0x1a: {  	[hbm4b:s16+s3] =	stream.linear.scatter [tilespmem:s9], [sflag:$0x4], $0x4000, $0x38;
	[tilespmem:$0x8200] =	vst v63  }
0x1b: {  	_ =	swait.ge [sflag:s15], $0x4000  }
0x1c: {  	[sflag:s15] =	ssyncset.done $0x0  }
0x1d: {  	s17 =	simm.s32 $0x8180;
	[sflag:s15] =	ssyncadd.s32 $0xFFFFC000  }
0x1e: {  	[tilespmem:s9], [sflag:$0x2] =	stream.indirect.gather [hbm4b:s2+s7], $0x80, s17, s7, $0xb8;
	[tilespmem:$0x8200] =	vst v63  }
0x1f: {  	_ =	swait.ge [sflag:s10], $0x4000  }
0x20: {  	s21 =	ssub.s32 $0x2, s19;
	[sflag:s10] =	ssyncset.done $0x0  }
0x21: {  	s31 =	sshrl.u32 s21, $0x1;
	s18 =	sadd.s32 $0x3A00, s20;
	[sflag:s10] =	ssyncadd.s32 $0xFFFFC000  }
0x22: {  	[hbm4b:s18+s3] =	stream.linear.scatter [tilespmem:s3], [sflag:$0x3], $0x4000, $0x38;
	[tilespmem:$0x8200] =	vst v63  }
0x23: {  	s19 =	sadd.s32 $0x4200, s20;
	s20 =	ssub.s32 s21, s31;
	_ =	swait.ge [sflag:s14], $0x4000  }
0x24: {  	s20 =	smax.u32 s20, $0x1;
	[sflag:s14] =	ssyncset.done $0x0  }
0x25: {  	p0 =	sne.s32 s20, $0x1;
	[sflag:s14] =	ssyncadd.s32 $0xFFFFC000  }
0x26: {  	[hbm4b:s19+s3] =	stream.linear.scatter [tilespmem:s9], [sflag:$0x4], $0x4000, $0x38;
	[tilespmem:$0x8200] =	vst v63  }
.Ltmp0:
0x27: {  	_ =	swait.ge [sflag:s12], $0x4000;
	(pc) =	sbr.rel @!p0 .LBB2_2-.Ltmp0, $4  }
0x28: {  	[sflag:s12] =	ssyncset.done $0x0  }
0x29: {  	[sflag:s12] =	ssyncadd.s32 $0xFFFFC000  }
0x2a: {  	_ =	swait.ge [sflag:s15], $0x4000  }
0x2b: {  	s20 =	sadd.s32 $0xFFFFFFFF, s20;
	[sflag:s15] =	ssyncset.done $0x0  }
.LBB2_1:
0x2c: {  	p0 =	sne.s32 s20, $0x1;
	s20 =	sadd.s32 $0xFFFFFFFF, s20;
	[sflag:s15] =	ssyncadd.s32 $0xFFFFC000  }
0x2d: {  	[tilespmem:s5], [sflag:$0x5] =	stream.linear.gather [hbm4b:s4+s3], $0x200, $0x38;
	[tilespmem:$0x8200] =	vst v63  }
0x2e: {  	_ =	swait.ge [sflag:s6], $0x200  }
0x2f: {  	[sflag:s6] =	ssyncset.done $0x0  }
0x30: {  	[sflag:s6] =	ssyncadd.s32 $0xFFFFFE00  }
0x31: {  	[tilespmem:s3], [sflag:$0x1] =	stream.indirect.gather [hbm4b:s2+s7], $0x80, s5, s7, $0xb8;
	[tilespmem:$0x8200] =	vst v63  }
0x32: {  	_ = 	snop  }
0x33: {  	[tilespmem:s9], [sflag:$0x2] =	stream.indirect.gather [hbm4b:s2+s7], $0x80, s8, s7, $0xb8;
	[tilespmem:$0x8200] =	vst v63  }
0x34: {  	_ =	swait.ge [sflag:s10], $0x4000  }
0x35: {  	[sflag:s10] =	ssyncset.done $0x0  }
0x36: {  	[sflag:s10] =	ssyncadd.s32 $0xFFFFC000  }
0x37: {  	[hbm4b:s11+s3] =	stream.linear.scatter [tilespmem:s3], [sflag:$0x3], $0x4000, $0x38;
	[tilespmem:$0x8200] =	vst v63  }
0x38: {  	_ =	swait.ge [sflag:s12], $0x4000  }
0x39: {  	[sflag:s12] =	ssyncset.done $0x0  }
0x3a: {  	[sflag:s12] =	ssyncadd.s32 $0xFFFFC000  }
0x3b: {  	[tilespmem:s3], [sflag:$0x1] =	stream.indirect.gather [hbm4b:s2+s7], $0x80, s13, s7, $0xb8;
	[tilespmem:$0x8200] =	vst v63  }
0x3c: {  	_ =	swait.ge [sflag:s14], $0x4000  }
0x3d: {  	[sflag:s14] =	ssyncset.done $0x0  }
0x3e: {  	[sflag:s14] =	ssyncadd.s32 $0xFFFFC000  }
0x3f: {  	[hbm4b:s16+s3] =	stream.linear.scatter [tilespmem:s9], [sflag:$0x4], $0x4000, $0x38;
	[tilespmem:$0x8200] =	vst v63  }
0x40: {  	_ =	swait.ge [sflag:s15], $0x4000  }
0x41: {  	[sflag:s15] =	ssyncset.done $0x0  }
0x42: {  	[sflag:s15] =	ssyncadd.s32 $0xFFFFC000  }
0x43: {  	[tilespmem:s9], [sflag:$0x2] =	stream.indirect.gather [hbm4b:s2+s7], $0x80, s17, s7, $0xb8;
	[tilespmem:$0x8200] =	vst v63  }
0x44: {  	_ =	swait.ge [sflag:s10], $0x4000  }
0x45: {  	[sflag:s10] =	ssyncset.done $0x0  }
0x46: {  	[sflag:s10] =	ssyncadd.s32 $0xFFFFC000  }
0x47: {  	[hbm4b:s18+s3] =	stream.linear.scatter [tilespmem:s3], [sflag:$0x3], $0x4000, $0x38;
	[tilespmem:$0x8200] =	vst v63  }
0x48: {  	_ =	swait.ge [sflag:s14], $0x4000  }
0x49: {  	[sflag:s14] =	ssyncset.done $0x0  }
0x4a: {  	[sflag:s14] =	ssyncadd.s32 $0xFFFFC000  }
0x4b: {  	[hbm4b:s19+s3] =	stream.linear.scatter [tilespmem:s9], [sflag:$0x4], $0x4000, $0x38;
	[tilespmem:$0x8200] =	vst v63  }
.Ltmp1:
0x4c: {  	_ =	swait.ge [sflag:s12], $0x4000;
	(pc) =	sbr.rel @p0 .LBB2_1-.Ltmp1, $4  }
0x4d: {  	[sflag:s12] =	ssyncset.done $0x0  }
0x4e: {  	[sflag:s12] =	ssyncadd.s32 $0xFFFFC000  }
0x4f: {  	_ =	swait.ge [sflag:s15], $0x4000  }
0x50: {  	[sflag:s15] =	ssyncset.done $0x0  }
.LBB2_2:
0x51: {  	[sflag:s15] =	ssyncadd.s32 $0xFFFFC000  }
0x52: {  	_ =	sfence.sel $0x180000  }
0x53: {  	[bflag:$0x0] =	sbarrier.arrive $0xFFFF  }
0x54: {  	p0 =	sne.s32 s0, $0x0;
	_ =	strace $0x9000004A  }
0x55: {  	s0 =	sadd.s32 @!p0 $0x100000, s1;
	[bflag:$0x2] =	sbarrier.arrive $0xFFFF  }
0x56: {  	[sflag:s0] =	ssyncadd.tile.s32 @!p0 $0x1;
	_ =	shalt  }
.Lfunc_end2:
_tile_overlayer_lowered:
.L_overlay_start_2:
0x57: {  	(tag) =	ssettag $0x2  }
0x58: {  	s0 =	rddreg [dreg:$0x0];
	s2 =	stileid.u32  }
0x59: {  	s1 =	rddreg [dreg:$0x1];
	p0 =	sne.s32 s2, $0x0  }
0x5a: {  	s3 =	rddreg [dreg:$0x2];
	[bflag:$0x3] =	sbarrier.arrive $0xFFFF;
	s2 =	simm.s32 @!p0 $0x1C05  }
0x5b: {  	[timem:s3], [sflag:s2] =	dma.local @!p0 [hbm:s0], s1  }
0x5c: {  	s0 =	simm.s32 @!p0 $0x5  }
0x5d: {  	_ =	swait.ge @!p0 [sflag:s0], s1  }
0x5e: {  	s1 =	ssub.s32 @!p0 $0x0, s1;
	[sflag:s0] =	ssyncset.done @!p0 $0x0  }
0x5f: {  	[sflag:s0] =	ssyncadd.s32 @!p0 s1  }
0x60: {  	[bflag:$0x3] =	sbarrier.arrive $0xFFFF  }
0x61: {  	_ =	shalt  }

</sc_bundles>
